<compile_context>
chip_gen: v7x
topology: tpu7x:2x2x1
jax: 0.10.2.dev20260603
libtpu: 0.0.44.dev20260713+nightly
codegen_flags: <defaults>
</compile_context>

<pallas_src>
import functools

import jax
import jax.numpy as jnp
from jax.experimental import pallas as pl
from jax.experimental.pallas import tpu as pltpu
from jax.experimental.pallas import tpu_sc as plsc

B = 1024
D_IN = 768
H = 512
E = 768
K = 8
N = 100000
OUT = 128

NB = 1024
NPAD = 100352
NBLK = NPAD // NB
CHUNKS = NB // 128

_NEG_INF = float("-inf")


def _mlp2(x, w1, b1, w2, b2):
    return jax.nn.relu(x @ w1 + b1) @ w2 + b2


def _normalize(x, eps=1e-12):
    n = jnp.linalg.norm(x, axis=1, keepdims=True)
    return x / jnp.maximum(n, eps)



def _insert_candidate(x, xi, v1, v2, v3, v4, c1, c2, c3, c4):
    r1, r2, r3, r4 = v1[...], v2[...], v3[...], v4[...]
    q1, q2, q3, q4 = c1[...], c2[...], c3[...], c4[...]
    g1 = x > r1
    g2 = x > r2
    g3 = x > r3
    g4 = x > r4
    v4[...] = jnp.where(g3, r3, jnp.where(g4, x, r4))
    c4[...] = jnp.where(g3, q3, jnp.where(g4, xi, q4))
    v3[...] = jnp.where(g2, r2, jnp.where(g3, x, r3))
    c3[...] = jnp.where(g2, q2, jnp.where(g3, xi, q3))
    v2[...] = jnp.where(g1, r1, jnp.where(g2, x, r2))
    c2[...] = jnp.where(g1, q1, jnp.where(g2, xi, q2))
    v1[...] = jnp.where(g1, x, r1)
    c1[...] = jnp.where(g1, xi, q1)


def _score_body(qb_ref, corpn_ref, corpraw_ref, nuw1_ref, nub1_ref, nuw2_ref,
                nub2_ref, scores_ref, idx_ref,
                v1, v2, v3, v4, c1, c2, c3, c4):
    i = pl.program_id(0)

    @pl.when(i == 0)
    def _init():
        neg = jnp.full((B, 128), _NEG_INF, jnp.float32)
        zero = jnp.zeros((B, 128), jnp.int32)
        v1[...] = neg
        v2[...] = neg
        v3[...] = neg
        v4[...] = neg
        c1[...] = zero
        c2[...] = zero
        c3[...] = zero
        c4[...] = zero

    h = jax.lax.dot_general(
        corpraw_ref[...].astype(jnp.bfloat16), nuw1_ref[...].astype(jnp.bfloat16),
        (((1,), (0,)), ((), ())), preferred_element_type=jnp.float32)
    h = jnp.maximum(h + nub1_ref[...], 0.0)
    nu2 = jax.lax.dot_general(
        nuw2_ref[...].astype(jnp.bfloat16), h.astype(jnp.bfloat16),
        (((1,), (1,)), ((), ())), preferred_element_type=jnp.float32)
    nu = jax.nn.sigmoid(nu2 + nub2_ref[...])

    sim = jax.lax.dot_general(
        qb_ref[...].astype(jnp.bfloat16), corpn_ref[...].astype(jnp.bfloat16),
        (((1,), (1,)), ((), ())), preferred_element_type=jnp.float32)
    w = sim * nu

    m1 = jnp.full((B, 128), _NEG_INF, jnp.float32)
    m2 = jnp.full((B, 128), _NEG_INF, jnp.float32)
    j1 = jnp.zeros((B, 128), jnp.int32)
    j2 = jnp.zeros((B, 128), jnp.int32)
    lane = jax.lax.broadcasted_iota(jnp.int32, (B, 128), 1)
    for c in range(CHUNKS):
        x = w[:, c * 128:(c + 1) * 128]
        bc = i * CHUNKS + c
        x = jnp.where(bc * 128 + lane < N, x, _NEG_INF)
        g1 = x > m1
        g2 = x > m2
        j2 = jnp.where(g1, j1, jnp.where(g2, bc, j2))
        m2 = jnp.where(g1, m1, jnp.where(g2, x, m2))
        j1 = jnp.where(g1, bc, j1)
        m1 = jnp.where(g1, x, m1)

    _insert_candidate(m1, j1, v1, v2, v3, v4, c1, c2, c3, c4)
    _insert_candidate(m2, j2, v1, v2, v3, v4, c1, c2, c3, c4)

    @pl.when(i == NBLK - 1)
    def _extract():
        cand_v = jnp.concatenate([v1[...], v2[...], v3[...], v4[...]], axis=1)
        cand_b = jnp.concatenate([c1[...], c2[...], c3[...], c4[...]], axis=1)
        lane = jax.lax.broadcasted_iota(jnp.int32, (B, 512), 1) % 128
        gcol = cand_b * 128 + lane
        cand_v = jnp.where(gcol >= N, _NEG_INF, cand_v)
        lane128 = jax.lax.broadcasted_iota(jnp.int32, (B, 128), 1)
        s_out = jnp.zeros((B, 128), jnp.float32)
        i_out = jnp.zeros((B, 128), jnp.int32)
        big = jnp.int32(2**31 - 1)
        for k in range(K):
            vmax = jnp.max(cand_v, axis=1, keepdims=True)
            ism = cand_v == vmax
            selidx = jnp.min(jnp.where(ism, gcol, big), axis=1, keepdims=True)
            s_out = jnp.where(lane128 == k, vmax, s_out)
            i_out = jnp.where(lane128 == k, selidx, i_out)
            cand_v = jnp.where(ism & (gcol == selidx), _NEG_INF, cand_v)
        scores_ref[...] = s_out
        idx_ref[...] = i_out


def _score_topk(qb, corpn_b, corpraw_b, nuw1_b, nub1, nuw2_b, nub2,
                interpret=False):
    scores_p, idx_p = pl.pallas_call(
        _score_body,
        grid=(NBLK,),
        in_specs=[
            pl.BlockSpec((B, E), lambda i: (0, 0)),
            pl.BlockSpec((NB, E), lambda i: (i, 0)),
            pl.BlockSpec((NB, E), lambda i: (i, 0)),
            pl.BlockSpec((E, 128), lambda i: (0, 0)),
            pl.BlockSpec((1, 128), lambda i: (0, 0)),
            pl.BlockSpec((1, 128), lambda i: (0, 0)),
            pl.BlockSpec((1, 1), lambda i: (0, 0)),
        ],
        out_specs=[
            pl.BlockSpec((B, 128), lambda i: (0, 0)),
            pl.BlockSpec((B, 128), lambda i: (0, 0)),
        ],
        out_shape=[
            jax.ShapeDtypeStruct((B, 128), jnp.float32),
            jax.ShapeDtypeStruct((B, 128), jnp.int32),
        ],
        scratch_shapes=[pltpu.VMEM((B, 128), jnp.float32)] * 4
                      + [pltpu.VMEM((B, 128), jnp.int32)] * 4,
        compiler_params=pltpu.CompilerParams(
            dimension_semantics=("arbitrary",)),
        interpret=interpret,
    )(qb, corpn_b, corpraw_b, nuw1_b, nub1, nuw2_b, nub2)
    return scores_p[:, :K], idx_p[:, :K]



_GW = 128
_EH = E // 2


def _sc_gather(corpus_half, indices_flat):
    mesh = plsc.VectorSubcoreMesh(core_axis_name="core",
                                  subcore_axis_name="subcore")
    num_idx = indices_flat.shape[1]

    @functools.partial(
        pl.kernel,
        out_type=jax.ShapeDtypeStruct((num_idx, _EH), jnp.float32),
        mesh=mesh)
    def gk(x_hbm, i_hbm, o_hbm):
        def body(i_vmem, o_vmem):
            pltpu.sync_copy(x_hbm.at[i_vmem.at[0]], o_vmem)

        pltpu.emit_pipeline(
            body,
            grid=(num_idx // _GW,),
            in_specs=[pl.BlockSpec((1, _GW), lambda i: (0, i))],
            out_specs=[pl.BlockSpec((_GW, _EH), lambda i: (i, 0))],
            core_axis_name="subcore",
            dimension_semantics=(pltpu.PARALLEL,),
        )(i_hbm, o_hbm)

    return gk(corpus_half, indices_flat)



_HI = jax.lax.Precision.HIGHEST


def _head_body(flat_ref, t_ref, trw_ref, trb_ref, cfb_ref, rew_ref, reb_ref,
               w1_ref, b1_ref, w2_ref, b2_ref, w3_ref, b3_ref, out_ref):
    t_enc = jnp.dot(t_ref[...], trw_ref[...], precision=_HI) + trb_ref[...]
    r_enc = jnp.dot(flat_ref[...], rew_ref[...], precision=_HI) + reb_ref[...]
    cpart = jnp.dot(cfb_ref[...], w1_ref[H:2 * H, :], precision=_HI)
    h1 = jnp.maximum(
        jnp.dot(t_enc, w1_ref[0:H, :], precision=_HI) + cpart
        + jnp.dot(r_enc, w1_ref[2 * H:3 * H, :], precision=_HI)
        + b1_ref[...], 0.0)
    h2 = jnp.maximum(jnp.dot(h1, w2_ref[...], precision=_HI) + b2_ref[...], 0.0)
    out_ref[...] = jnp.dot(h2, w3_ref[...], precision=_HI) + b3_ref[...]


def _head(flat, treatment, tr_w, tr_b, cf_b, re_w, re_b,
          op_w1, op_b1, op_w2, op_b2, op_w3, op_b3, interpret=False):
    RB = 256
    return pl.pallas_call(
        _head_body,
        grid=(B // RB,),
        in_specs=[
            pl.BlockSpec((RB, K * E), lambda i: (i, 0)),
            pl.BlockSpec((RB, D_IN), lambda i: (i, 0)),
            pl.BlockSpec((D_IN, H), lambda i: (0, 0)),
            pl.BlockSpec((1, H), lambda i: (0, 0)),
            pl.BlockSpec((1, H), lambda i: (0, 0)),
            pl.BlockSpec((K * E, H), lambda i: (0, 0)),
            pl.BlockSpec((1, H), lambda i: (0, 0)),
            pl.BlockSpec((3 * H, H), lambda i: (0, 0)),
            pl.BlockSpec((1, H), lambda i: (0, 0)),
            pl.BlockSpec((H, H // 2), lambda i: (0, 0)),
            pl.BlockSpec((1, H // 2), lambda i: (0, 0)),
            pl.BlockSpec((H // 2, OUT), lambda i: (0, 0)),
            pl.BlockSpec((1, OUT), lambda i: (0, 0)),
        ],
        out_specs=pl.BlockSpec((RB, OUT), lambda i: (i, 0)),
        out_shape=jax.ShapeDtypeStruct((B, OUT), jnp.float32),
        compiler_params=pltpu.CompilerParams(
            dimension_semantics=("arbitrary",)),
        interpret=interpret,
    )(flat, treatment, tr_w, tr_b, cf_b, re_w, re_b,
      op_w1, op_b1, op_w2, op_b2, op_w3, op_b3)




def kernel(patient, treatment, confounders, outcome_features, corpus_embeddings,
           pop_w1, pop_b1, pop_w2, pop_b2, int_w1, int_b1, int_w2, int_b2,
           cmp_w1, cmp_b1, cmp_w2, cmp_b2, out_w1, out_b1, out_w2, out_b2,
           eff_w1, eff_b1, eff_w2, eff_b2, nu_w1, nu_b1, nu_w2, nu_b2,
           tr_w, tr_b, cf_w, cf_b, re_w, re_b,
           op_w1, op_b1, op_w2, op_b2, op_w3, op_b3):
    control = jnp.zeros_like(treatment)
    population = _mlp2(patient, pop_w1, pop_b1, pop_w2, pop_b2)
    intervention = _mlp2(treatment, int_w1, int_b1, int_w2, int_b2)
    comparison = _mlp2(control, cmp_w1, cmp_b1, cmp_w2, cmp_b2)
    pi = jnp.concatenate([population, intervention], axis=1)
    pc = jnp.concatenate([population, comparison], axis=1)
    pi_eff = _mlp2(pi, eff_w1, eff_b1, eff_w2, eff_b2)
    pc_eff = _mlp2(pc, eff_w1, eff_b1, eff_w2, eff_b2)
    cemb = _normalize(pi_eff - pc_eff)
    q = _normalize(cemb)
    corp = _normalize(corpus_embeddings)
    q, corp = jax.lax.optimization_barrier((q, corp))

    nub1 = nu_b1.reshape(1, 128)
    nuw2_r = nu_w2.reshape(1, 128)
    nub2 = nu_b2.reshape(1, 1)

    scores, indices = _score_topk(q, corp, corpus_embeddings, nu_w1, nub1,
                                  nuw2_r, nub2)

    idx_flat = indices.reshape(B * K)
    idx_half = jnp.stack([2 * idx_flat, 2 * idx_flat + 1], axis=-1)
    retrieved = _sc_gather(corpus_embeddings.reshape(2 * N, _EH),
                           idx_half.reshape(1, 2 * B * K))
    flat = retrieved.reshape(B, K * E)

    pred = _head(flat, treatment, tr_w, tr_b.reshape(1, H), cf_b.reshape(1, H),
                 re_w, re_b.reshape(1, H),
                 op_w1, op_b1.reshape(1, H), op_w2, op_b2.reshape(1, H // 2),
                 op_w3, op_b3.reshape(1, OUT))
    return (pred, cemb, scores, indices)

# --- scband reference (transcript-rebuilt; emitter-appended) ---
"""Pipeline reference for scband-picocontrastive-rag-37538014167097 (READ-ONLY COPY).

The authoritative reference and input builder live on the scoring server;
editing this copy changes nothing except your own understanding.
"""

import jax, jax.numpy as jnp
import numpy as np

B, D_IN, H, E, K, N, OUT = 1024, 768, 512, 768, 8, 100000, 128

def _mlp2(x, w1, b1, w2, b2):
    return jax.nn.relu(x @ w1 + b1) @ w2 + b2

def _normalize(x, eps=1e-12):
    n = jnp.linalg.norm(x, axis=1, keepdims=True)
    return x / jnp.maximum(n, eps)

_PARAM_SHAPES = {
    'pop_w1': (D_IN, H), 'pop_b1': (H,), 'pop_w2': (H, H), 'pop_b2': (H,),
    'int_w1': (D_IN, H), 'int_b1': (H,), 'int_w2': (H, H), 'int_b2': (H,),
    'cmp_w1': (D_IN, H), 'cmp_b1': (H,), 'cmp_w2': (H, H), 'cmp_b2': (H,),
    'out_w1': (D_IN, H), 'out_b1': (H,), 'out_w2': (H, H), 'out_b2': (H,),
    'eff_w1': (2 * H, H), 'eff_b1': (H,), 'eff_w2': (H, E), 'eff_b2': (E,),
    'nu_w1': (E, 128), 'nu_b1': (128,), 'nu_w2': (128, 1), 'nu_b2': (1,),
    'tr_w': (D_IN, H), 'tr_b': (H,),
    'cf_w': (0, H), 'cf_b': (H,),
    're_w': (E * K, H), 're_b': (H,),
    'op_w1': (3 * H, H), 'op_b1': (H,),
    'op_w2': (H, H // 2), 'op_b2': (H // 2,),
    'op_w3': (H // 2, OUT), 'op_b3': (OUT,),
}

def setup_inputs(seed: int = 0) -> dict:
    key = jax.random.key(seed)
    def nk(i):
        return jax.random.fold_in(key, i)
    inp = {
        'patient': jax.random.normal(nk(100), (B, D_IN), jnp.float32),
        'treatment': jax.random.normal(nk(101), (B, D_IN), jnp.float32),
        'confounders': jnp.zeros((B, 0), jnp.float32),
        'outcome_features': jax.random.normal(nk(102), (B, D_IN), jnp.float32),
        'corpus_embeddings': jax.random.normal(nk(103), (N, E), jnp.float32),
    }
    for i, (name, shp) in enumerate(_PARAM_SHAPES.items()):
        inp[name] = jax.random.normal(nk(i), shp, jnp.float32) * 0.02
    return inp

def reference(patient, treatment, confounders, outcome_features, corpus_embeddings,
              pop_w1, pop_b1, pop_w2, pop_b2, int_w1, int_b1, int_w2, int_b2,
              cmp_w1, cmp_b1, cmp_w2, cmp_b2, out_w1, out_b1, out_w2, out_b2,
              eff_w1, eff_b1, eff_w2, eff_b2, nu_w1, nu_b1, nu_w2, nu_b2,
              tr_w, tr_b, cf_w, cf_b, re_w, re_b,
              op_w1, op_b1, op_w2, op_b2, op_w3, op_b3):
    control = jnp.zeros_like(treatment)
    # PICOParser (treatment width == input_dim, so no padding branch)
    population = _mlp2(patient, pop_w1, pop_b1, pop_w2, pop_b2)
    intervention = _mlp2(treatment, int_w1, int_b1, int_w2, int_b2)
    comparison = _mlp2(control, cmp_w1, cmp_b1, cmp_w2, cmp_b2)
    _outcome = _mlp2(outcome_features, out_w1, out_b1, out_w2, out_b2)  # computed but unused downstream (faithful)
    # ContrastiveEmbedding: f(P,I) - f(P,C)
    pi = jnp.concatenate([population, intervention], axis=1)
    pc = jnp.concatenate([population, comparison], axis=1)
    pi_eff = _mlp2(pi, eff_w1, eff_b1, eff_w2, eff_b2)
    pc_eff = _mlp2(pc, eff_w1, eff_b1, eff_w2, eff_b2)
    cemb = _normalize(pi_eff - pc_eff)
    # NuanceWeightedRetrieval
    q = _normalize(cemb)
    corp = _normalize(corpus_embeddings)
    sim = q @ corp.T  # [B, N]
    nuance = jax.nn.sigmoid(jax.nn.relu(corpus_embeddings @ nu_w1 + nu_b1) @ nu_w2 + nu_b2)  # [N, 1]
    weighted = sim * nuance.T  # [B, N]
    scores, indices = jax.lax.top_k(weighted, K)
    retrieved = jnp.take(corpus_embeddings, indices, axis=0)  # [B, K, E]
    # Outcome head
    flat = retrieved.reshape(patient.shape[0], -1)
    r_enc = flat @ re_w + re_b
    t_enc = treatment @ tr_w + tr_b
    c_enc = confounders @ cf_w + cf_b
    comb = jnp.concatenate([t_enc, c_enc, r_enc], axis=1)
    h = jax.nn.relu(comb @ op_w1 + op_b1)
    h = jax.nn.relu(h @ op_w2 + op_b2)  # dropout in eval -> identity
    pred = h @ op_w3 + op_b3
    return (pred, cemb, scores, indices)

if __name__ == "__main__":
    import jax
    _d = setup_inputs()
    print(jax.jit(kernel)(*tuple(_d.values())))

</pallas_src>

<mosaic_0001>
#map = affine_map<(d0, d1) -> (0, 0)>
module attributes {stable_mosaic.version = 14 : i64} {
  func.func @gk(%arg0: i32, %arg1: i32, %arg2: memref<200000x384xf32, #tpu.memory_space<hbm>>, %arg3: memref<1x16384xi32, #tpu.memory_space<hbm>>, %arg4: memref<16384x384xf32, #tpu.memory_space<hbm>>) attributes {dimension_semantics = [#tpu.dimension_semantics<core_parallel>, #tpu.dimension_semantics<subcore_parallel>], iteration_bounds = array<i64: 2, 16>, scalar_prefetch = 0 : i64, scratch_operands = 0 : i64, tpu.core_type = #tpu.core_type<sc_vector_subcore>, window_params = [{transform_indices = #map}, {transform_indices = #map}, {transform_indices = #map}]} {
    %mul3A = arith.constant 8 : i32
    %mul3A_0 = arith.muli %arg1, %mul3A : i32
    "tpu.region"() ({
      %run_scoped3A = memref.alloca() : memref<2x1x128xi32, #tpu.memory_space<vmem>>
      %run_scoped3A_1 = tpu.sem_alloc : memref<2x!tpu.dma_semaphore, #tpu.memory_space<semaphore_mem>>
      %run_scoped3A_2 = memref.alloca() : memref<2x128x384xf32, #tpu.memory_space<vmem>>
      %run_scoped3A_3 = tpu.sem_alloc : memref<2x!tpu.dma_semaphore, #tpu.memory_space<semaphore_mem>>
      %add3A = arith.constant 0 : i32
      %add3A_4 = arith.addi %add3A, %mul3A_0 : i32
      %select_n3A = arith.constant true
      %select_n3A_5 = arith.constant 0 : i32
      %select_n3A_6 = arith.constant -1 : i32
      %select_n3A_7 = arith.select %select_n3A, %select_n3A_6, %select_n3A_5 : i32
      %eq3A = arith.constant -1 : i32
      %eq3A_8 = arith.cmpi eq, %select_n3A_7, %eq3A : i32
      %select_n3A_9 = arith.constant 7 : i32
      %select_n3A_10 = arith.select %eq3A_8, %select_n3A_9, %select_n3A_7 : i32
      %add3A_11 = arith.addi %select_n3A_10, %mul3A_0 : i32
      %select_n3A_12 = arith.constant true
      %select_n3A_13 = arith.constant 0 : i32
      %select_n3A_14 = arith.constant 1 : i32
      %select_n3A_15 = arith.select %select_n3A_12, %select_n3A_14, %select_n3A_13 : i32
      %eq3A_16 = arith.constant 8 : i32
      %eq3A_17 = arith.cmpi eq, %select_n3A_15, %eq3A_16 : i32
      %select_n3A_18 = arith.constant 0 : i32
      %select_n3A_19 = arith.select %eq3A_17, %select_n3A_18, %select_n3A_15 : i32
      %add3A_20 = arith.addi %select_n3A_19, %mul3A_0 : i32
      %add3A_21 = arith.constant 1 : i32
      %add3A_22 = arith.addi %select_n3A_19, %add3A_21 : i32
      %select_n3A_23 = arith.constant true
      %select_n3A_24 = arith.select %select_n3A_23, %add3A_22, %select_n3A_19 : i32
      %eq3A_25 = arith.constant 8 : i32
      %eq3A_26 = arith.cmpi eq, %select_n3A_24, %eq3A_25 : i32
      %select_n3A_27 = arith.constant 0 : i32
      %select_n3A_28 = arith.select %eq3A_26, %select_n3A_27, %select_n3A_24 : i32
      %add3A_29 = arith.addi %select_n3A_28, %mul3A_0 : i32
      "tpu.trace_start"() <{level = 10 : i32, message = "ep_initialize_0"}> : () -> ()
      %rem3A = arith.constant 0 : i32
      %rem3A_30 = arith.constant 2 : i32
      %rem3A_31 = arith.remui %rem3A, %rem3A_30 : i32
      %mul3A_32 = arith.constant 128 : i32
      %mul3A_33 = arith.muli %mul3A_32, %add3A_4 : i32
      %dma_start3A = arith.constant 0 : i32
      %dma_start3A_34 = arith.constant 0 : i32
      %dma_start3A_35 = tpu.memref_slice %run_scoped3A[%rem3A_31, %dma_start3A, %dma_start3A_34] : memref<2x1x128xi32, #tpu.memory_space<vmem>> -> memref<1x1x128xi32, #tpu.memory_space<vmem>>
      %dma_start3A_36 = tpu.memref_squeeze %dma_start3A_35 : memref<1x1x128xi32, #tpu.memory_space<vmem>> -> memref<1x128xi32, #tpu.memory_space<vmem>>
      %dma_start3A_37 = arith.constant 0 : i32
      %dma_start3A_38 = tpu.memref_slice %arg3[%dma_start3A_37, %mul3A_33] : memref<1x16384xi32, #tpu.memory_space<hbm>> -> memref<1x128xi32, #tpu.memory_space<hbm>>
      %dma_start3A_39 = tpu.memref_slice %run_scoped3A_1[%rem3A_31] : memref<2x!tpu.dma_semaphore, #tpu.memory_space<semaphore_mem>> -> memref<1x!tpu.dma_semaphore, #tpu.memory_space<semaphore_mem>>
      %dma_start3A_40 = tpu.memref_squeeze %dma_start3A_39 : memref<1x!tpu.dma_semaphore, #tpu.memory_space<semaphore_mem>> -> memref<!tpu.dma_semaphore, #tpu.memory_space<semaphore_mem>>
      %dma_start3A_41 = arith.constant 0 : i32
      %dma_start3A_42 = arith.constant 0 : i32
      %dma_start3A_43 = tpu.memref_slice %run_scoped3A[%rem3A_31, %dma_start3A_41, %dma_start3A_42] : memref<2x1x128xi32, #tpu.memory_space<vmem>> -> memref<1x1x128xi32, #tpu.memory_space<vmem>>
      %dma_start3A_44 = tpu.memref_squeeze %dma_start3A_43 : memref<1x1x128xi32, #tpu.memory_space<vmem>> -> memref<1x128xi32, #tpu.memory_space<vmem>>
      %dma_start3A_45 = arith.constant 0 : i32
      %dma_start3A_46 = tpu.memref_slice %arg3[%dma_start3A_45, %mul3A_33] : memref<1x16384xi32, #tpu.memory_space<hbm>> -> memref<1x128xi32, #tpu.memory_space<hbm>>
      tpu.enqueue_dma source(%dma_start3A_46 : memref<1x128xi32, #tpu.memory_space<hbm>>) target(%dma_start3A_44 : memref<1x128xi32, #tpu.memory_space<vmem>>) target_semaphore(%dma_start3A_40 : memref<!tpu.dma_semaphore, #tpu.memory_space<semaphore_mem>>)
      %add3A_47 = arith.constant 0 : i32
      %add3A_48 = arith.constant 1 : i32
      %add3A_49 = arith.addi %add3A_47, %add3A_48 : i32
      %select_n3A_50 = arith.constant true
      %select_n3A_51 = arith.constant 0 : i32
      %select_n3A_52 = arith.select %select_n3A_50, %add3A_49, %select_n3A_51 : i32
      "tpu.trace_stop"() : () -> ()
      %scan3A = arith.constant 0 : i32
      %scan3A_53 = arith.constant 0 : i32
      %scan3A_54 = arith.constant 0 : i32
      %scan3A_55 = arith.constant 0 : i32
      %scan3A_56 = arith.constant 0 : i32
      %scan3A_57 = arith.constant 8 : i32
      %scan3A_58 = arith.addi %scan3A_56, %scan3A_57 : i32
      %scan3A_59 = arith.constant 1 : i32
      %scan3A_60:5 = scf.for %scan3A_114 = %scan3A_56 to %scan3A_58 step %scan3A_59 iter_args(%scan3A_115 = %select_n3A_52, %scan3A_116 = %scan3A, %scan3A_117 = %scan3A_53, %scan3A_118 = %scan3A_54, %scan3A_119 = %scan3A_55) -> (i32, i32, i32, i32, i32)  : i32 {
        %eq3A_120 = arith.constant 0 : i32
        %eq3A_121 = arith.cmpi eq, %scan3A_114, %eq3A_120 : i32
        %eq3A_122 = arith.constant 7 : i32
        %eq3A_123 = arith.cmpi eq, %scan3A_114, %eq3A_122 : i32
        %add3A_124 = arith.addi %scan3A_119, %mul3A_0 : i32
        %sub3A_125 = arith.constant 1 : i32
        %sub3A_126 = arith.subi %scan3A_119, %sub3A_125 : i32
        %select_n3A_127 = arith.constant true
        %select_n3A_128 = arith.select %select_n3A_127, %sub3A_126, %scan3A_119 : i32
        %eq3A_129 = arith.constant -1 : i32
        %eq3A_130 = arith.cmpi eq, %select_n3A_128, %eq3A_129 : i32
        %select_n3A_131 = arith.constant 7 : i32
        %select_n3A_132 = arith.select %eq3A_130, %select_n3A_131, %select_n3A_128 : i32
        %add3A_133 = arith.addi %select_n3A_132, %mul3A_0 : i32
        %add3A_134 = arith.constant 1 : i32
        %add3A_135 = arith.addi %scan3A_119, %add3A_134 : i32
        %select_n3A_136 = arith.constant true
        %select_n3A_137 = arith.select %select_n3A_136, %add3A_135, %scan3A_119 : i32
        %eq3A_138 = arith.constant 8 : i32
        %eq3A_139 = arith.cmpi eq, %select_n3A_137, %eq3A_138 : i32
        %select_n3A_140 = arith.constant 0 : i32
        %select_n3A_141 = arith.select %eq3A_139, %select_n3A_140, %select_n3A_137 : i32
        %add3A_142 = arith.addi %select_n3A_141, %mul3A_0 : i32
        %add3A_143 = arith.constant 1 : i32
        %add3A_144 = arith.addi %select_n3A_141, %add3A_143 : i32
        %select_n3A_145 = arith.constant true
        %select_n3A_146 = arith.select %select_n3A_145, %add3A_144, %select_n3A_141 : i32
        %eq3A_147 = arith.constant 8 : i32
        %eq3A_148 = arith.cmpi eq, %select_n3A_146, %eq3A_147 : i32
        %select_n3A_149 = arith.constant 0 : i32
        %select_n3A_150 = arith.select %eq3A_148, %select_n3A_149, %select_n3A_146 : i32
        %add3A_151 = arith.addi %select_n3A_150, %mul3A_0 : i32
        %ne3A = arith.cmpi ne, %add3A_124, %add3A_142 : i32
        %or3A = arith.constant false
        %or3A_152 = arith.ori %or3A, %ne3A : i1
        %ge3A = arith.constant 7 : i32
        %ge3A_153 = arith.cmpi sge, %scan3A_114, %ge3A : i32
        %not3A = arith.constant true
        %not3A_154 = arith.xori %ge3A_153, %not3A : i1
        %and3A = arith.andi %or3A_152, %not3A_154 : i1
        %convert_element_type3A = arith.extui %and3A : i1 to i32
        %cond3A = arith.constant 0 : i32
        %cond3A_155 = arith.cmpi ne, %convert_element_type3A, %cond3A : i32
        scf.if %cond3A_155 {
          "tpu.trace_start"() <{level = 10 : i32, message = "ep_copy_in"}> : () -> ()
          %rem3A_257 = arith.constant 2 : i32
          %rem3A_258 = arith.remui %scan3A_115, %rem3A_257 : i32
          %mul3A_259 = arith.constant 128 : i32
          %mul3A_260 = arith.muli %mul3A_259, %add3A_142 : i32
          %dma_start3A_261 = arith.constant 0 : i32
          %dma_start3A_262 = arith.constant 0 : i32
          %dma_start3A_263 = tpu.memref_slice %run_scoped3A[%rem3A_258, %dma_start3A_261, %dma_start3A_262] : memref<2x1x128xi32, #tpu.memory_space<vmem>> -> memref<1x1x128xi32, #tpu.memory_space<vmem>>
          %dma_start3A_264 = tpu.memref_squeeze %dma_start3A_263 : memref<1x1x128xi32, #tpu.memory_space<vmem>> -> memref<1x128xi32, #tpu.memory_space<vmem>>
          %dma_start3A_265 = arith.constant 0 : i32
          %dma_start3A_266 = tpu.memref_slice %arg3[%dma_start3A_265, %mul3A_260] : memref<1x16384xi32, #tpu.memory_space<hbm>> -> memref<1x128xi32, #tpu.memory_space<hbm>>
          %dma_start3A_267 = tpu.memref_slice %run_scoped3A_1[%rem3A_258] : memref<2x!tpu.dma_semaphore, #tpu.memory_space<semaphore_mem>> -> memref<1x!tpu.dma_semaphore, #tpu.memory_space<semaphore_mem>>
          %dma_start3A_268 = tpu.memref_squeeze %dma_start3A_267 : memref<1x!tpu.dma_semaphore, #tpu.memory_space<semaphore_mem>> -> memref<!tpu.dma_semaphore, #tpu.memory_space<semaphore_mem>>
          %dma_start3A_269 = arith.constant 0 : i32
          %dma_start3A_270 = arith.constant 0 : i32
          %dma_start3A_271 = tpu.memref_slice %run_scoped3A[%rem3A_258, %dma_start3A_269, %dma_start3A_270] : memref<2x1x128xi32, #tpu.memory_space<vmem>> -> memref<1x1x128xi32, #tpu.memory_space<vmem>>
          %dma_start3A_272 = tpu.memref_squeeze %dma_start3A_271 : memref<1x1x128xi32, #tpu.memory_space<vmem>> -> memref<1x128xi32, #tpu.memory_space<vmem>>
          %dma_start3A_273 = arith.constant 0 : i32
          %dma_start3A_274 = tpu.memref_slice %arg3[%dma_start3A_273, %mul3A_260] : memref<1x16384xi32, #tpu.memory_space<hbm>> -> memref<1x128xi32, #tpu.memory_space<hbm>>
          tpu.enqueue_dma source(%dma_start3A_274 : memref<1x128xi32, #tpu.memory_space<hbm>>) target(%dma_start3A_272 : memref<1x128xi32, #tpu.memory_space<vmem>>) target_semaphore(%dma_start3A_268 : memref<!tpu.dma_semaphore, #tpu.memory_space<semaphore_mem>>)
          "tpu.trace_stop"() : () -> ()
        } else {
        }
        %and3A_156 = arith.constant true
        %and3A_157 = arith.andi %and3A, %and3A_156 : i1
        %add3A_158 = arith.constant 1 : i32
        %add3A_159 = arith.addi %scan3A_115, %add3A_158 : i32
        %select_n3A_160 = arith.select %and3A_157, %add3A_159, %scan3A_115 : i32
        %ne3A_161 = arith.cmpi ne, %add3A_124, %add3A_142 : i32
        %or3A_162 = arith.constant false
        %or3A_163 = arith.ori %or3A_162, %ne3A_161 : i1
        %or3A_164 = arith.constant false
        %or3A_165 = arith.ori %or3A_163, %or3A_164 : i1
        %ge3A_166 = arith.constant 7 : i32
        %ge3A_167 = arith.cmpi sge, %scan3A_114, %ge3A_166 : i32
        %not3A_168 = arith.constant true
        %not3A_169 = arith.xori %ge3A_167, %not3A_168 : i1
        %and3A_170 = arith.andi %or3A_165, %not3A_169 : i1
        %ne3A_171 = arith.cmpi ne, %add3A_124, %add3A_133 : i32
        %or3A_172 = arith.constant false
        %or3A_173 = arith.ori %or3A_172, %ne3A_171 : i1
        %or3A_174 = arith.ori %or3A_173, %eq3A_121 : i1
        %convert_element_type3A_175 = arith.extui %or3A_174 : i1 to i32
        %cond3A_176 = arith.constant 0 : i32
        %cond3A_177 = arith.cmpi ne, %convert_element_type3A_175, %cond3A_176 : i32
        scf.if %cond3A_177 {
          "tpu.trace_start"() <{level = 10 : i32, message = "ep_wait_in"}> : () -> ()
          %mul3A_257 = arith.constant 128 : i32
          %mul3A_258 = arith.muli %mul3A_257, %add3A_124 : i32
          %rem3A_259 = arith.constant 2 : i32
          %rem3A_260 = arith.remui %scan3A_116, %rem3A_259 : i32
          %dma_wait3A_261 = arith.constant 0 : i32
          %dma_wait3A_262 = arith.constant 0 : i32
          %dma_wait3A_263 = tpu.memref_slice %run_scoped3A[%rem3A_260, %dma_wait3A_261, %dma_wait3A_262] : memref<2x1x128xi32, #tpu.memory_space<vmem>> -> memref<1x1x128xi32, #tpu.memory_space<vmem>>
          %dma_wait3A_264 = tpu.memref_squeeze %dma_wait3A_263 : memref<1x1x128xi32, #tpu.memory_space<vmem>> -> memref<1x128xi32, #tpu.memory_space<vmem>>
          %dma_wait3A_265 = arith.constant 0 : i32
          %dma_wait3A_266 = tpu.memref_slice %arg3[%dma_wait3A_265, %mul3A_258] : memref<1x16384xi32, #tpu.memory_space<hbm>> -> memref<1x128xi32, #tpu.memory_space<hbm>>
          %dma_wait3A_267 = tpu.memref_slice %run_scoped3A_1[%rem3A_260] : memref<2x!tpu.dma_semaphore, #tpu.memory_space<semaphore_mem>> -> memref<1x!tpu.dma_semaphore, #tpu.memory_space<semaphore_mem>>
          %dma_wait3A_268 = tpu.memref_squeeze %dma_wait3A_267 : memref<1x!tpu.dma_semaphore, #tpu.memory_space<semaphore_mem>> -> memref<!tpu.dma_semaphore, #tpu.memory_space<semaphore_mem>>
          %dma_wait3A_269 = arith.constant 0 : i32
          %dma_wait3A_270 = arith.constant 0 : i32
          %dma_wait3A_271 = tpu.memref_slice %run_scoped3A[%rem3A_260, %dma_wait3A_269, %dma_wait3A_270] : memref<2x1x128xi32, #tpu.memory_space<vmem>> -> memref<1x1x128xi32, #tpu.memory_space<vmem>>
          %dma_wait3A_272 = tpu.memref_squeeze %dma_wait3A_271 : memref<1x1x128xi32, #tpu.memory_space<vmem>> -> memref<1x128xi32, #tpu.memory_space<vmem>>
          %dma_wait3A_273 = arith.constant 0 : i32
          %dma_wait3A_274 = tpu.memref_slice %arg3[%dma_wait3A_273, %mul3A_258] : memref<1x16384xi32, #tpu.memory_space<hbm>> -> memref<1x128xi32, #tpu.memory_space<hbm>>
          tpu.wait_dma2 semaphore(%dma_wait3A_268 : memref<!tpu.dma_semaphore, #tpu.memory_space<semaphore_mem>>) src(%dma_wait3A_274 : memref<1x128xi32, #tpu.memory_space<hbm>>) dst(%dma_wait3A_272 : memref<1x128xi32, #tpu.memory_space<vmem>>)
          "tpu.trace_stop"() : () -> ()
        } else {
        }
        %ne3A_178 = arith.cmpi ne, %add3A_124, %add3A_133 : i32
        %or3A_179 = arith.constant false
        %or3A_180 = arith.ori %or3A_179, %ne3A_178 : i1
        %or3A_181 = arith.constant false
        %or3A_182 = arith.ori %or3A_180, %or3A_181 : i1
        %or3A_183 = arith.ori %or3A_182, %eq3A_121 : i1
        %convert_element_type3A_184 = arith.extui %or3A_183 : i1 to i32
        %cond3A_185 = arith.constant 0 : i32
        %cond3A_186 = arith.cmpi ne, %convert_element_type3A_184, %cond3A_185 : i32
        scf.if %cond3A_186 {
        } else {
        }
        %rem3A_187 = arith.constant 2 : i32
        %rem3A_188 = arith.remui %scan3A_116, %rem3A_187 : i32
        %rem3A_189 = arith.constant 2 : i32
        %rem3A_190 = arith.remui %scan3A_117, %rem3A_189 : i32
        %run_scoped3A_191 = arith.constant 0 : i32
        "tpu.trace_start"() <{level = 10 : i32, message = "ep_run_kernel"}> : () -> ()
        "tpu.region"() ({
          %run_scoped3A_257 = tpu.sem_alloc : memref<!tpu.dma_semaphore, #tpu.memory_space<semaphore_mem>>
          %dma_start3A_258 = arith.constant 0 : i32
          %dma_start3A_259 = arith.constant 0 : i32
          %dma_start3A_260 = tpu.memref_slice %run_scoped3A_2[%rem3A_190, %dma_start3A_258, %dma_start3A_259] : memref<2x128x384xf32, #tpu.memory_space<vmem>> -> memref<1x128x384xf32, #tpu.memory_space<vmem>>
          %dma_start3A_261 = tpu.memref_squeeze %dma_start3A_260 : memref<1x128x384xf32, #tpu.memory_space<vmem>> -> memref<128x384xf32, #tpu.memory_space<vmem>>
          %dma_start3A_262 = arith.constant 0 : i32
          %dma_start3A_263 = arith.constant 0 : i32
          %dma_start3A_264 = tpu.memref_slice %run_scoped3A[%rem3A_188, %dma_start3A_262, %dma_start3A_263] : memref<2x1x128xi32, #tpu.memory_space<vmem>> -> memref<1x1x128xi32, #tpu.memory_space<vmem>>
          %dma_start3A_265 = tpu.memref_squeeze %dma_start3A_264 : memref<1x1x128xi32, #tpu.memory_space<vmem>> -> memref<1x128xi32, #tpu.memory_space<vmem>>
          %dma_start3A_266 = arith.constant 0 : i32
          %dma_start3A_267 = tpu.memref_slice %dma_start3A_265[%run_scoped3A_191, %dma_start3A_266] : memref<1x128xi32, #tpu.memory_space<vmem>> -> memref<1x128xi32, #tpu.memory_space<vmem>>
          %dma_start3A_268 = tpu.memref_squeeze %dma_start3A_267 : memref<1x128xi32, #tpu.memory_space<vmem>> -> memref<128xi32, #tpu.memory_space<vmem>>
          %dma_start3A_269 = arith.constant 0 : i32
          %dma_start3A_270 = arith.constant 0 : i32
          %dma_start3A_271 = tpu.memref_slice %arg2[%dma_start3A_269, %dma_start3A_270] : memref<200000x384xf32, #tpu.memory_space<hbm>> -> memref<200000x384xf32, #tpu.memory_space<hbm>>
          tpu.enqueue_indirect_dma source(%dma_start3A_271 : memref<200000x384xf32, #tpu.memory_space<hbm>>) target(%dma_start3A_261 : memref<128x384xf32, #tpu.memory_space<vmem>>) offsets(%dma_start3A_268 : memref<128xi32, #tpu.memory_space<vmem>>) semaphore(%run_scoped3A_257 : memref<!tpu.dma_semaphore, #tpu.memory_space<semaphore_mem>>)
          %dma_wait3A_272 = arith.constant 0 : i32
          %dma_wait3A_273 = arith.constant 0 : i32
          %dma_wait3A_274 = tpu.memref_slice %run_scoped3A_2[%rem3A_190, %dma_wait3A_272, %dma_wait3A_273] : memref<2x128x384xf32, #tpu.memory_space<vmem>> -> memref<1x128x384xf32, #tpu.memory_space<vmem>>
          %dma_wait3A_275 = tpu.memref_squeeze %dma_wait3A_274 : memref<1x128x384xf32, #tpu.memory_space<vmem>> -> memref<128x384xf32, #tpu.memory_space<vmem>>
          %dma_wait3A_276 = arith.constant 0 : i32
          %dma_wait3A_277 = arith.constant 0 : i32
          %dma_wait3A_278 = tpu.memref_slice %run_scoped3A[%rem3A_188, %dma_wait3A_276, %dma_wait3A_277] : memref<2x1x128xi32, #tpu.memory_space<vmem>> -> memref<1x1x128xi32, #tpu.memory_space<vmem>>
          %dma_wait3A_279 = tpu.memref_squeeze %dma_wait3A_278 : memref<1x1x128xi32, #tpu.memory_space<vmem>> -> memref<1x128xi32, #tpu.memory_space<vmem>>
          %dma_wait3A_280 = arith.constant 0 : i32
          %dma_wait3A_281 = tpu.memref_slice %dma_wait3A_279[%run_scoped3A_191, %dma_wait3A_280] : memref<1x128xi32, #tpu.memory_space<vmem>> -> memref<1x128xi32, #tpu.memory_space<vmem>>
          %dma_wait3A_282 = tpu.memref_squeeze %dma_wait3A_281 : memref<1x128xi32, #tpu.memory_space<vmem>> -> memref<128xi32, #tpu.memory_space<vmem>>
          %dma_wait3A_283 = arith.constant 0 : i32
          %dma_wait3A_284 = arith.constant 0 : i32
          %dma_wait3A_285 = tpu.memref_slice %arg2[%dma_wait3A_283, %dma_wait3A_284] : memref<200000x384xf32, #tpu.memory_space<hbm>> -> memref<200000x384xf32, #tpu.memory_space<hbm>>
          tpu.wait_indirect_dma semaphore(%run_scoped3A_257 : memref<!tpu.dma_semaphore, #tpu.memory_space<semaphore_mem>>) src(%dma_wait3A_285 : memref<200000x384xf32, #tpu.memory_space<hbm>>) dst(%dma_wait3A_275 : memref<128x384xf32, #tpu.memory_space<vmem>>)
          tpu.yield
        }) : () -> ()
        "tpu.trace_stop"() : () -> ()
        %ne3A_192 = arith.cmpi ne, %add3A_124, %add3A_142 : i32
        %or3A_193 = arith.constant false
        %or3A_194 = arith.ori %or3A_193, %ne3A_192 : i1
        %or3A_195 = arith.ori %or3A_194, %eq3A_123 : i1
        %convert_element_type3A_196 = arith.extui %or3A_195 : i1 to i32
        %cond3A_197 = arith.constant 0 : i32
        %cond3A_198 = arith.cmpi ne, %convert_element_type3A_196, %cond3A_197 : i32
        scf.if %cond3A_198 {
        } else {
        }
        %and3A_199 = arith.constant false
        %and3A_200 = arith.andi %or3A_195, %and3A_199 : i1
        %ne3A_201 = arith.cmpi ne, %add3A_124, %add3A_142 : i32
        %or3A_202 = arith.constant false
        %or3A_203 = arith.ori %or3A_202, %ne3A_201 : i1
        %or3A_204 = arith.constant false
        %or3A_205 = arith.ori %or3A_203, %or3A_204 : i1
        %or3A_206 = arith.ori %or3A_205, %eq3A_123 : i1
        %convert_element_type3A_207 = arith.extui %or3A_206 : i1 to i32
        %cond3A_208 = arith.constant 0 : i32
        %cond3A_209 = arith.cmpi ne, %convert_element_type3A_207, %cond3A_208 : i32
        scf.if %cond3A_209 {
          "tpu.trace_start"() <{level = 10 : i32, message = "ep_copy_out"}> : () -> ()
          %rem3A_257 = arith.constant 2 : i32
          %rem3A_258 = arith.remui %scan3A_117, %rem3A_257 : i32
          %mul3A_259 = arith.constant 128 : i32
          %mul3A_260 = arith.muli %mul3A_259, %add3A_124 : i32
          %dma_start3A_261 = arith.constant 0 : i32
          %dma_start3A_262 = arith.constant 0 : i32
          %dma_start3A_263 = tpu.memref_slice %run_scoped3A_2[%rem3A_258, %dma_start3A_261, %dma_start3A_262] : memref<2x128x384xf32, #tpu.memory_space<vmem>> -> memref<1x128x384xf32, #tpu.memory_space<vmem>>
          %dma_start3A_264 = tpu.memref_squeeze %dma_start3A_263 : memref<1x128x384xf32, #tpu.memory_space<vmem>> -> memref<128x384xf32, #tpu.memory_space<vmem>>
          %dma_start3A_265 = arith.constant 0 : i32
          %dma_start3A_266 = tpu.memref_slice %arg4[%mul3A_260, %dma_start3A_265] : memref<16384x384xf32, #tpu.memory_space<hbm>> -> memref<128x384xf32, #tpu.memory_space<hbm>>
          %dma_start3A_267 = tpu.memref_slice %run_scoped3A_3[%rem3A_258] : memref<2x!tpu.dma_semaphore, #tpu.memory_space<semaphore_mem>> -> memref<1x!tpu.dma_semaphore, #tpu.memory_space<semaphore_mem>>
          %dma_start3A_268 = tpu.memref_squeeze %dma_start3A_267 : memref<1x!tpu.dma_semaphore, #tpu.memory_space<semaphore_mem>> -> memref<!tpu.dma_semaphore, #tpu.memory_space<semaphore_mem>>
          %dma_start3A_269 = arith.constant 0 : i32
          %dma_start3A_270 = tpu.memref_slice %arg4[%mul3A_260, %dma_start3A_269] : memref<16384x384xf32, #tpu.memory_space<hbm>> -> memref<128x384xf32, #tpu.memory_space<hbm>>
          %dma_start3A_271 = arith.constant 0 : i32
          %dma_start3A_272 = arith.constant 0 : i32
          %dma_start3A_273 = tpu.memref_slice %run_scoped3A_2[%rem3A_258, %dma_start3A_271, %dma_start3A_272] : memref<2x128x384xf32, #tpu.memory_space<vmem>> -> memref<1x128x384xf32, #tpu.memory_space<vmem>>
          %dma_start3A_274 = tpu.memref_squeeze %dma_start3A_273 : memref<1x128x384xf32, #tpu.memory_space<vmem>> -> memref<128x384xf32, #tpu.memory_space<vmem>>
          tpu.enqueue_dma source(%dma_start3A_274 : memref<128x384xf32, #tpu.memory_space<vmem>>) target(%dma_start3A_270 : memref<128x384xf32, #tpu.memory_space<hbm>>) target_semaphore(%dma_start3A_268 : memref<!tpu.dma_semaphore, #tpu.memory_space<semaphore_mem>>)
          "tpu.trace_stop"() : () -> ()
        } else {
        }
        %and3A_210 = arith.constant true
        %and3A_211 = arith.andi %or3A_206, %and3A_210 : i1
        %add3A_212 = arith.constant 1 : i32
        %add3A_213 = arith.addi %scan3A_117, %add3A_212 : i32
        %select_n3A_214 = arith.select %and3A_211, %add3A_213, %scan3A_117 : i32
        %ne3A_215 = arith.cmpi ne, %add3A_124, %add3A_133 : i32
        %or3A_216 = arith.constant false
        %or3A_217 = arith.ori %or3A_216, %ne3A_215 : i1
        %not3A_218 = arith.constant true
        %not3A_219 = arith.xori %eq3A_121, %not3A_218 : i1
        %and3A_220 = arith.andi %or3A_217, %not3A_219 : i1
        %convert_element_type3A_221 = arith.extui %and3A_220 : i1 to i32
        %cond3A_222 = arith.constant 0 : i32
        %cond3A_223 = arith.cmpi ne, %convert_element_type3A_221, %cond3A_222 : i32
        scf.if %cond3A_223 {
        } else {
        }
        %and3A_224 = arith.constant false
        %and3A_225 = arith.andi %and3A_220, %and3A_224 : i1
        %ne3A_226 = arith.cmpi ne, %add3A_124, %add3A_133 : i32
        %or3A_227 = arith.constant false
        %or3A_228 = arith.ori %or3A_227, %ne3A_226 : i1
        %or3A_229 = arith.constant false
        %or3A_230 = arith.ori %or3A_228, %or3A_229 : i1
        %not3A_231 = arith.constant true
        %not3A_232 = arith.xori %eq3A_121, %not3A_231 : i1
        %and3A_233 = arith.andi %or3A_230, %not3A_232 : i1
        %convert_element_type3A_234 = arith.extui %and3A_233 : i1 to i32
        %cond3A_235 = arith.constant 0 : i32
        %cond3A_236 = arith.cmpi ne, %convert_element_type3A_234, %cond3A_235 : i32
        scf.if %cond3A_236 {
          "tpu.trace_start"() <{level = 10 : i32, message = "ep_wait_out"}> : () -> ()
          %rem3A_257 = arith.constant 2 : i32
          %rem3A_258 = arith.remui %scan3A_118, %rem3A_257 : i32
          %mul3A_259 = arith.constant 128 : i32
          %mul3A_260 = arith.muli %mul3A_259, %add3A_133 : i32
          %dma_wait3A_261 = arith.constant 0 : i32
          %dma_wait3A_262 = arith.constant 0 : i32
          %dma_wait3A_263 = tpu.memref_slice %run_scoped3A_2[%rem3A_258, %dma_wait3A_261, %dma_wait3A_262] : memref<2x128x384xf32, #tpu.memory_space<vmem>> -> memref<1x128x384xf32, #tpu.memory_space<vmem>>
          %dma_wait3A_264 = tpu.memref_squeeze %dma_wait3A_263 : memref<1x128x384xf32, #tpu.memory_space<vmem>> -> memref<128x384xf32, #tpu.memory_space<vmem>>
          %dma_wait3A_265 = arith.constant 0 : i32
          %dma_wait3A_266 = tpu.memref_slice %arg4[%mul3A_260, %dma_wait3A_265] : memref<16384x384xf32, #tpu.memory_space<hbm>> -> memref<128x384xf32, #tpu.memory_space<hbm>>
          %dma_wait3A_267 = tpu.memref_slice %run_scoped3A_3[%rem3A_258] : memref<2x!tpu.dma_semaphore, #tpu.memory_space<semaphore_mem>> -> memref<1x!tpu.dma_semaphore, #tpu.memory_space<semaphore_mem>>
          %dma_wait3A_268 = tpu.memref_squeeze %dma_wait3A_267 : memref<1x!tpu.dma_semaphore, #tpu.memory_space<semaphore_mem>> -> memref<!tpu.dma_semaphore, #tpu.memory_space<semaphore_mem>>
          %dma_wait3A_269 = arith.constant 0 : i32
          %dma_wait3A_270 = tpu.memref_slice %arg4[%mul3A_260, %dma_wait3A_269] : memref<16384x384xf32, #tpu.memory_space<hbm>> -> memref<128x384xf32, #tpu.memory_space<hbm>>
          %dma_wait3A_271 = arith.constant 0 : i32
          %dma_wait3A_272 = arith.constant 0 : i32
          %dma_wait3A_273 = tpu.memref_slice %run_scoped3A_2[%rem3A_258, %dma_wait3A_271, %dma_wait3A_272] : memref<2x128x384xf32, #tpu.memory_space<vmem>> -> memref<1x128x384xf32, #tpu.memory_space<vmem>>
          %dma_wait3A_274 = tpu.memref_squeeze %dma_wait3A_273 : memref<1x128x384xf32, #tpu.memory_space<vmem>> -> memref<128x384xf32, #tpu.memory_space<vmem>>
          tpu.wait_dma2 semaphore(%dma_wait3A_268 : memref<!tpu.dma_semaphore, #tpu.memory_space<semaphore_mem>>) src(%dma_wait3A_274 : memref<128x384xf32, #tpu.memory_space<vmem>>) dst(%dma_wait3A_270 : memref<128x384xf32, #tpu.memory_space<hbm>>)
          "tpu.trace_stop"() : () -> ()
        } else {
        }
        %and3A_237 = arith.constant true
        %and3A_238 = arith.andi %and3A_233, %and3A_237 : i1
        %add3A_239 = arith.constant 1 : i32
        %add3A_240 = arith.addi %scan3A_118, %add3A_239 : i32
        %select_n3A_241 = arith.select %and3A_238, %add3A_240, %scan3A_118 : i32
        %ne3A_242 = arith.cmpi ne, %add3A_124, %add3A_142 : i32
        %or3A_243 = arith.constant false
        %or3A_244 = arith.ori %or3A_243, %ne3A_242 : i1
        %or3A_245 = arith.ori %or3A_244, %eq3A_123 : i1
        %add3A_246 = arith.constant 1 : i32
        %add3A_247 = arith.addi %scan3A_116, %add3A_246 : i32
        %select_n3A_248 = arith.select %or3A_245, %add3A_247, %scan3A_116 : i32
        %add3A_249 = arith.constant 1 : i32
        %add3A_250 = arith.addi %scan3A_119, %add3A_249 : i32
        %select_n3A_251 = arith.constant true
        %select_n3A_252 = arith.select %select_n3A_251, %add3A_250, %scan3A_119 : i32
        %eq3A_253 = arith.constant 8 : i32
        %eq3A_254 = arith.cmpi eq, %select_n3A_252, %eq3A_253 : i32
        %select_n3A_255 = arith.constant 0 : i32
        %select_n3A_256 = arith.select %eq3A_254, %select_n3A_255, %select_n3A_252 : i32
        scf.yield %select_n3A_160, %select_n3A_248, %select_n3A_214, %select_n3A_241, %select_n3A_256 : i32, i32, i32, i32, i32
      }
      %scan3A_61 = arith.constant 8 : i32
      %sub3A = arith.constant 1 : i32
      %sub3A_62 = arith.subi %scan3A_60#4, %sub3A : i32
      %select_n3A_63 = arith.constant true
      %select_n3A_64 = arith.select %select_n3A_63, %sub3A_62, %scan3A_60#4 : i32
      %eq3A_65 = arith.constant -1 : i32
      %eq3A_66 = arith.cmpi eq, %select_n3A_64, %eq3A_65 : i32
      %select_n3A_67 = arith.constant 7 : i32
      %select_n3A_68 = arith.select %eq3A_66, %select_n3A_67, %select_n3A_64 : i32
      %add3A_69 = arith.addi %select_n3A_68, %mul3A_0 : i32
      %sub3A_70 = arith.constant 1 : i32
      %sub3A_71 = arith.subi %select_n3A_68, %sub3A_70 : i32
      %select_n3A_72 = arith.constant true
      %select_n3A_73 = arith.select %select_n3A_72, %sub3A_71, %select_n3A_68 : i32
      %eq3A_74 = arith.constant -1 : i32
      %eq3A_75 = arith.cmpi eq, %select_n3A_73, %eq3A_74 : i32
      %select_n3A_76 = arith.constant 7 : i32
      %select_n3A_77 = arith.select %eq3A_75, %select_n3A_76, %select_n3A_73 : i32
      %add3A_78 = arith.addi %select_n3A_77, %mul3A_0 : i32
      %add3A_79 = arith.constant 1 : i32
      %add3A_80 = arith.addi %select_n3A_68, %add3A_79 : i32
      %select_n3A_81 = arith.constant true
      %select_n3A_82 = arith.select %select_n3A_81, %add3A_80, %select_n3A_68 : i32
      %eq3A_83 = arith.constant 8 : i32
      %eq3A_84 = arith.cmpi eq, %select_n3A_82, %eq3A_83 : i32
      %select_n3A_85 = arith.constant 0 : i32
      %select_n3A_86 = arith.select %eq3A_84, %select_n3A_85, %select_n3A_82 : i32
      %add3A_87 = arith.addi %select_n3A_86, %mul3A_0 : i32
      %add3A_88 = arith.constant 1 : i32
      %add3A_89 = arith.addi %select_n3A_86, %add3A_88 : i32
      %select_n3A_90 = arith.constant true
      %select_n3A_91 = arith.select %select_n3A_90, %add3A_89, %select_n3A_86 : i32
      %eq3A_92 = arith.constant 8 : i32
      %eq3A_93 = arith.cmpi eq, %select_n3A_91, %eq3A_92 : i32
      %select_n3A_94 = arith.constant 0 : i32
      %select_n3A_95 = arith.select %eq3A_93, %select_n3A_94, %select_n3A_91 : i32
      %add3A_96 = arith.addi %select_n3A_95, %mul3A_0 : i32
      "tpu.trace_start"() <{level = 10 : i32, message = "ep_finalize"}> : () -> ()
      %rem3A_97 = arith.constant 2 : i32
      %rem3A_98 = arith.remui %scan3A_60#3, %rem3A_97 : i32
      %mul3A_99 = arith.constant 128 : i32
      %mul3A_100 = arith.muli %mul3A_99, %add3A_69 : i32
      %dma_wait3A = arith.constant 0 : i32
      %dma_wait3A_101 = arith.constant 0 : i32
      %dma_wait3A_102 = tpu.memref_slice %run_scoped3A_2[%rem3A_98, %dma_wait3A, %dma_wait3A_101] : memref<2x128x384xf32, #tpu.memory_space<vmem>> -> memref<1x128x384xf32, #tpu.memory_space<vmem>>
      %dma_wait3A_103 = tpu.memref_squeeze %dma_wait3A_102 : memref<1x128x384xf32, #tpu.memory_space<vmem>> -> memref<128x384xf32, #tpu.memory_space<vmem>>
      %dma_wait3A_104 = arith.constant 0 : i32
      %dma_wait3A_105 = tpu.memref_slice %arg4[%mul3A_100, %dma_wait3A_104] : memref<16384x384xf32, #tpu.memory_space<hbm>> -> memref<128x384xf32, #tpu.memory_space<hbm>>
      %dma_wait3A_106 = tpu.memref_slice %run_scoped3A_3[%rem3A_98] : memref<2x!tpu.dma_semaphore, #tpu.memory_space<semaphore_mem>> -> memref<1x!tpu.dma_semaphore, #tpu.memory_space<semaphore_mem>>
      %dma_wait3A_107 = tpu.memref_squeeze %dma_wait3A_106 : memref<1x!tpu.dma_semaphore, #tpu.memory_space<semaphore_mem>> -> memref<!tpu.dma_semaphore, #tpu.memory_space<semaphore_mem>>
      %dma_wait3A_108 = arith.constant 0 : i32
      %dma_wait3A_109 = tpu.memref_slice %arg4[%mul3A_100, %dma_wait3A_108] : memref<16384x384xf32, #tpu.memory_space<hbm>> -> memref<128x384xf32, #tpu.memory_space<hbm>>
      %dma_wait3A_110 = arith.constant 0 : i32
      %dma_wait3A_111 = arith.constant 0 : i32
      %dma_wait3A_112 = tpu.memref_slice %run_scoped3A_2[%rem3A_98, %dma_wait3A_110, %dma_wait3A_111] : memref<2x128x384xf32, #tpu.memory_space<vmem>> -> memref<1x128x384xf32, #tpu.memory_space<vmem>>
      %dma_wait3A_113 = tpu.memref_squeeze %dma_wait3A_112 : memref<1x128x384xf32, #tpu.memory_space<vmem>> -> memref<128x384xf32, #tpu.memory_space<vmem>>
      tpu.wait_dma2 semaphore(%dma_wait3A_107 : memref<!tpu.dma_semaphore, #tpu.memory_space<semaphore_mem>>) src(%dma_wait3A_113 : memref<128x384xf32, #tpu.memory_space<vmem>>) dst(%dma_wait3A_109 : memref<128x384xf32, #tpu.memory_space<hbm>>)
      "tpu.trace_stop"() : () -> ()
      tpu.yield
    }) : () -> ()
    return
  }
}

module attributes {stable_mosaic.version = 14 : i64} {
  func.func @_score_body(%arg0: i32, %arg1: memref<1024x768xf32, #tpu.memory_space<vmem>>, %arg2: memref<1024x768xf32, #tpu.memory_space<vmem>>, %arg3: memref<1024x768xf32, #tpu.memory_space<vmem>>, %arg4: memref<768x128xf32, #tpu.memory_space<vmem>>, %arg5: memref<1x128xf32, #tpu.memory_space<vmem>>, %arg6: memref<1x128xf32, #tpu.memory_space<vmem>>, %arg7: memref<1x1xf32, #tpu.memory_space<vmem>>, %arg8: memref<1024x128xf32, #tpu.memory_space<vmem>>, %arg9: memref<1024x128xi32, #tpu.memory_space<vmem>>, %arg10: memref<1024x128xf32, #tpu.memory_space<vmem>>, %arg11: memref<1024x128xf32, #tpu.memory_space<vmem>>, %arg12: memref<1024x128xf32, #tpu.memory_space<vmem>>, %arg13: memref<1024x128xf32, #tpu.memory_space<vmem>>, %arg14: memref<1024x128xi32, #tpu.memory_space<vmem>>, %arg15: memref<1024x128xi32, #tpu.memory_space<vmem>>, %arg16: memref<1024x128xi32, #tpu.memory_space<vmem>>, %arg17: memref<1024x128xi32, #tpu.memory_space<vmem>>) attributes {dimension_semantics = [#tpu.dimension_semantics<arbitrary>], iteration_bounds = array<i64: 98>, scalar_prefetch = 0 : i64, scratch_operands = 8 : i64, tpu.core_type = #tpu.core_type<tc>, window_params = [{pipeline_mode = #tpu.pipeline_mode<synchronous>, transform_indices = @transform_0, window_bounds = array<i64: 1024, 768>}, {transform_indices = @transform_1, window_bounds = array<i64: 1024, 768>}, {transform_indices = @transform_2, window_bounds = array<i64: 1024, 768>}, {pipeline_mode = #tpu.pipeline_mode<synchronous>, transform_indices = @transform_3, window_bounds = array<i64: 768, 128>}, {pipeline_mode = #tpu.pipeline_mode<synchronous>, transform_indices = @transform_4, window_bounds = array<i64: 1, 128>}, {pipeline_mode = #tpu.pipeline_mode<synchronous>, transform_indices = @transform_5, window_bounds = array<i64: 1, 128>}, {pipeline_mode = #tpu.pipeline_mode<synchronous>, transform_indices = @transform_6, window_bounds = array<i64: 1, 1>}, {pipeline_mode = #tpu.pipeline_mode<synchronous>, transform_indices = @transform_7, window_bounds = array<i64: 1024, 128>}, {pipeline_mode = #tpu.pipeline_mode<synchronous>, transform_indices = @transform_8, window_bounds = array<i64: 1024, 128>}]} {
    %eq3A = arith.constant 0 : i32
    %eq3A_0 = arith.cmpi eq, %arg0, %eq3A : i32
    %convert_element_type3A = arith.extui %eq3A_0 : i1 to i32
    %cond3A = arith.constant 0 : i32
    %cond3A_1 = arith.cmpi ne, %convert_element_type3A, %cond3A : i32
    scf.if %cond3A_1 {
      %broadcast_in_dim3A_382 = arith.constant 0xFF800000 : f32
      %broadcast_in_dim3A_383 = vector.broadcast %broadcast_in_dim3A_382 : f32 to vector<1024x128xf32>
      %broadcast_in_dim3A_384 = arith.constant 0 : i32
      %broadcast_in_dim3A_385 = vector.broadcast %broadcast_in_dim3A_384 : i32 to vector<1024x128xi32>
      %swap3A_386 = arith.constant 0 : index
      %swap3A_387 = arith.constant 0 : index
      %swap3A_388 = vector.load %arg10[%swap3A_386, %swap3A_387] : memref<1024x128xf32, #tpu.memory_space<vmem>>, vector<1024x128xf32>
      tpu.vector_store %arg10[%swap3A_386, %swap3A_387], %broadcast_in_dim3A_383 {strides = array<i32>} : memref<1024x128xf32, #tpu.memory_space<vmem>>, vector<1024x128xf32>,
      %swap3A_389 = arith.constant 0 : index
      %swap3A_390 = arith.constant 0 : index
      %swap3A_391 = vector.load %arg11[%swap3A_389, %swap3A_390] : memref<1024x128xf32, #tpu.memory_space<vmem>>, vector<1024x128xf32>
      tpu.vector_store %arg11[%swap3A_389, %swap3A_390], %broadcast_in_dim3A_383 {strides = array<i32>} : memref<1024x128xf32, #tpu.memory_space<vmem>>, vector<1024x128xf32>,
      %swap3A_392 = arith.constant 0 : index
      %swap3A_393 = arith.constant 0 : index
      %swap3A_394 = vector.load %arg12[%swap3A_392, %swap3A_393] : memref<1024x128xf32, #tpu.memory_space<vmem>>, vector<1024x128xf32>
      tpu.vector_store %arg12[%swap3A_392, %swap3A_393], %broadcast_in_dim3A_383 {strides = array<i32>} : memref<1024x128xf32, #tpu.memory_space<vmem>>, vector<1024x128xf32>,
      %swap3A_395 = arith.constant 0 : index
      %swap3A_396 = arith.constant 0 : index
      %swap3A_397 = vector.load %arg13[%swap3A_395, %swap3A_396] : memref<1024x128xf32, #tpu.memory_space<vmem>>, vector<1024x128xf32>
      tpu.vector_store %arg13[%swap3A_395, %swap3A_396], %broadcast_in_dim3A_383 {strides = array<i32>} : memref<1024x128xf32, #tpu.memory_space<vmem>>, vector<1024x128xf32>,
      %swap3A_398 = arith.constant 0 : index
      %swap3A_399 = arith.constant 0 : index
      %swap3A_400 = vector.load %arg14[%swap3A_398, %swap3A_399] : memref<1024x128xi32, #tpu.memory_space<vmem>>, vector<1024x128xi32>
      tpu.vector_store %arg14[%swap3A_398, %swap3A_399], %broadcast_in_dim3A_385 {strides = array<i32>} : memref<1024x128xi32, #tpu.memory_space<vmem>>, vector<1024x128xi32>,
      %swap3A_401 = arith.constant 0 : index
      %swap3A_402 = arith.constant 0 : index
      %swap3A_403 = vector.load %arg15[%swap3A_401, %swap3A_402] : memref<1024x128xi32, #tpu.memory_space<vmem>>, vector<1024x128xi32>
      tpu.vector_store %arg15[%swap3A_401, %swap3A_402], %broadcast_in_dim3A_385 {strides = array<i32>} : memref<1024x128xi32, #tpu.memory_space<vmem>>, vector<1024x128xi32>,
      %swap3A_404 = arith.constant 0 : index
      %swap3A_405 = arith.constant 0 : index
      %swap3A_406 = vector.load %arg16[%swap3A_404, %swap3A_405] : memref<1024x128xi32, #tpu.memory_space<vmem>>, vector<1024x128xi32>
      tpu.vector_store %arg16[%swap3A_404, %swap3A_405], %broadcast_in_dim3A_385 {strides = array<i32>} : memref<1024x128xi32, #tpu.memory_space<vmem>>, vector<1024x128xi32>,
      %swap3A_407 = arith.constant 0 : index
      %swap3A_408 = arith.constant 0 : index
      %swap3A_409 = vector.load %arg17[%swap3A_407, %swap3A_408] : memref<1024x128xi32, #tpu.memory_space<vmem>>, vector<1024x128xi32>
      tpu.vector_store %arg17[%swap3A_407, %swap3A_408], %broadcast_in_dim3A_385 {strides = array<i32>} : memref<1024x128xi32, #tpu.memory_space<vmem>>, vector<1024x128xi32>,
    } else {
    }
    %get3A = arith.constant 0 : index
    %get3A_2 = arith.constant 0 : index
    %get3A_3 = vector.load %arg3[%get3A, %get3A_2] : memref<1024x768xf32, #tpu.memory_space<vmem>>, vector<1024x768xf32>
    %convert_element_type3A_4 = arith.truncf %get3A_3 : vector<1024x768xf32> to vector<1024x768xbf16>
    %get3A_5 = arith.constant 0 : index
    %get3A_6 = arith.constant 0 : index
    %get3A_7 = vector.load %arg4[%get3A_5, %get3A_6] : memref<768x128xf32, #tpu.memory_space<vmem>>, vector<768x128xf32>
    %convert_element_type3A_8 = arith.truncf %get3A_7 : vector<768x128xf32> to vector<768x128xbf16>
    %dot_general3A = arith.constant dense<0.000000e+00> : vector<1024x128xf32>
    %dot_general3A_9 = tpu.matmul %convert_element_type3A_4, %convert_element_type3A_8, %dot_general3A {dimension_numbers = #tpu.dot_dimension_numbers<[1], [0], [0], [1], [0, 0, 1, 1], [], []>, transpose_lhs_hint = false} : vector<1024x768xbf16>, vector<768x128xbf16>, vector<1024x128xf32> -> vector<1024x128xf32>
    %get3A_10 = arith.constant 0 : index
    %get3A_11 = arith.constant 0 : index
    %get3A_12 = vector.load %arg5[%get3A_10, %get3A_11] : memref<1x128xf32, #tpu.memory_space<vmem>>, vector<1x128xf32>
    %add3A = vector.broadcast %get3A_12 : vector<1x128xf32> to vector<1024x128xf32>
    %add3A_13 = arith.addf %dot_general3A_9, %add3A : vector<1024x128xf32>
    %max3A = arith.constant 0.000000e+00 : f32
    %max3A_14 = vector.broadcast %max3A : f32 to vector<1024x128xf32>
    %max3A_15 = arith.maximumf %add3A_13, %max3A_14 : vector<1024x128xf32>
    %get3A_16 = arith.constant 0 : index
    %get3A_17 = arith.constant 0 : index
    %get3A_18 = vector.load %arg6[%get3A_16, %get3A_17] : memref<1x128xf32, #tpu.memory_space<vmem>>, vector<1x128xf32>
    %convert_element_type3A_19 = arith.truncf %get3A_18 : vector<1x128xf32> to vector<1x128xbf16>
    %convert_element_type3A_20 = arith.truncf %max3A_15 : vector<1024x128xf32> to vector<1024x128xbf16>
    %dot_general3A_21 = arith.constant dense<0.000000e+00> : vector<1x1024xf32>
    %dot_general3A_22 = tpu.matmul %convert_element_type3A_19, %convert_element_type3A_20, %dot_general3A_21 {dimension_numbers = #tpu.dot_dimension_numbers<[1], [1], [0], [0], [0, 0, 1, 0], [], []>, transpose_lhs_hint = false} : vector<1x128xbf16>, vector<1024x128xbf16>, vector<1x1024xf32> -> vector<1x1024xf32>
    %get3A_23 = arith.constant 0 : index
    %get3A_24 = arith.constant 0 : index
    %get3A_25 = vector.load %arg7[%get3A_23, %get3A_24] : memref<1x1xf32, #tpu.memory_space<vmem>>, vector<1x1xf32>
    %add3A_26 = vector.broadcast %get3A_25 : vector<1x1xf32> to vector<1x1024xf32>
    %add3A_27 = arith.addf %dot_general3A_22, %add3A_26 : vector<1x1024xf32>
    %logistic3A = arith.negf %add3A_27 : vector<1x1024xf32>
    %logistic3A_28 = math.exp %logistic3A : vector<1x1024xf32>
    %logistic3A_29 = arith.constant 1.000000e+00 : f32
    %logistic3A_30 = vector.broadcast %logistic3A_29 : f32 to vector<1x1024xf32>
    %logistic3A_31 = arith.addf %logistic3A_30, %logistic3A_28 : vector<1x1024xf32>
    %logistic3A_32 = arith.divf %logistic3A_30, %logistic3A_31 : vector<1x1024xf32>
    %get3A_33 = arith.constant 0 : index
    %get3A_34 = arith.constant 0 : index
    %get3A_35 = vector.load %arg1[%get3A_33, %get3A_34] : memref<1024x768xf32, #tpu.memory_space<vmem>>, vector<1024x768xf32>
    %convert_element_type3A_36 = arith.truncf %get3A_35 : vector<1024x768xf32> to vector<1024x768xbf16>
    %get3A_37 = arith.constant 0 : index
    %get3A_38 = arith.constant 0 : index
    %get3A_39 = vector.load %arg2[%get3A_37, %get3A_38] : memref<1024x768xf32, #tpu.memory_space<vmem>>, vector<1024x768xf32>
    %convert_element_type3A_40 = arith.truncf %get3A_39 : vector<1024x768xf32> to vector<1024x768xbf16>
    %dot_general3A_41 = arith.constant dense<0.000000e+00> : vector<1024x1024xf32>
    %dot_general3A_42 = tpu.matmul %convert_element_type3A_36, %convert_element_type3A_40, %dot_general3A_41 {dimension_numbers = #tpu.dot_dimension_numbers<[1], [1], [0], [0], [0, 0, 1, 0], [], []>, transpose_lhs_hint = false} : vector<1024x768xbf16>, vector<1024x768xbf16>, vector<1024x1024xf32> -> vector<1024x1024xf32>
    %mul3A = vector.broadcast %logistic3A_32 : vector<1x1024xf32> to vector<1024x1024xf32>
    %mul3A_43 = arith.mulf %dot_general3A_42, %mul3A : vector<1024x1024xf32>
    %broadcast_in_dim3A = arith.constant 0xFF800000 : f32
    %broadcast_in_dim3A_44 = vector.broadcast %broadcast_in_dim3A : f32 to vector<1024x128xf32>
    %broadcast_in_dim3A_45 = arith.constant 0xFF800000 : f32
    %broadcast_in_dim3A_46 = vector.broadcast %broadcast_in_dim3A_45 : f32 to vector<1024x128xf32>
    %broadcast_in_dim3A_47 = arith.constant 0 : i32
    %broadcast_in_dim3A_48 = vector.broadcast %broadcast_in_dim3A_47 : i32 to vector<1024x128xi32>
    %broadcast_in_dim3A_49 = arith.constant 0 : i32
    %broadcast_in_dim3A_50 = vector.broadcast %broadcast_in_dim3A_49 : i32 to vector<1024x128xi32>
    %iota3A = tpu.iota {dimensions = array<i32: 1>} : vector<1024x128xi32>
    %slice3A = vector.extract_strided_slice %mul3A_43 {offsets = [0, 0], sizes = [1024, 128], strides = [1, 1]} : vector<1024x1024xf32> to vector<1024x128xf32>
    %mul3A_51 = arith.constant 8 : i32
    %mul3A_52 = arith.muli %arg0, %mul3A_51 : i32
    %add3A_53 = arith.constant 0 : i32
    %add3A_54 = arith.addi %mul3A_52, %add3A_53 : i32
    %mul3A_55 = arith.constant 128 : i32
    %mul3A_56 = arith.muli %add3A_54, %mul3A_55 : i32
    %add3A_57 = vector.broadcast %mul3A_56 : i32 to vector<1024x128xi32>
    %add3A_58 = arith.addi %add3A_57, %iota3A : vector<1024x128xi32>
    %lt3A = arith.constant 100000 : i32
    %lt3A_59 = vector.broadcast %lt3A : i32 to vector<1024x128xi32>
    %lt3A_60 = arith.cmpi slt, %add3A_58, %lt3A_59 : vector<1024x128xi32>
    %jit3A = arith.constant 0xFF800000 : f32
    %broadcast_in_dim3A_61 = vector.broadcast %jit3A : f32 to vector<1024x128xf32>
    %select_n3A = arith.select %lt3A_60, %slice3A, %broadcast_in_dim3A_61 : vector<1024x128xi1>, vector<1024x128xf32>
    %gt3A = arith.cmpf ogt, %select_n3A, %broadcast_in_dim3A_44 : vector<1024x128xf32>
    %gt3A_62 = arith.cmpf ogt, %select_n3A, %broadcast_in_dim3A_46 : vector<1024x128xf32>
    %broadcast_in_dim3A_63 = vector.broadcast %add3A_54 : i32 to vector<1024x128xi32>
    %select_n3A_64 = arith.select %gt3A_62, %broadcast_in_dim3A_63, %broadcast_in_dim3A_50 : vector<1024x128xi1>, vector<1024x128xi32>
    %select_n3A_65 = arith.select %gt3A, %broadcast_in_dim3A_48, %select_n3A_64 : vector<1024x128xi1>, vector<1024x128xi32>
    %select_n3A_66 = arith.select %gt3A_62, %select_n3A, %broadcast_in_dim3A_46 : vector<1024x128xi1>, vector<1024x128xf32>
    %select_n3A_67 = arith.select %gt3A, %broadcast_in_dim3A_44, %select_n3A_66 : vector<1024x128xi1>, vector<1024x128xf32>
    %broadcast_in_dim3A_68 = vector.broadcast %add3A_54 : i32 to vector<1024x128xi32>
    %select_n3A_69 = arith.select %gt3A, %broadcast_in_dim3A_68, %broadcast_in_dim3A_48 : vector<1024x128xi1>, vector<1024x128xi32>
    %select_n3A_70 = arith.select %gt3A, %select_n3A, %broadcast_in_dim3A_44 : vector<1024x128xi1>, vector<1024x128xf32>
    %slice3A_71 = vector.extract_strided_slice %mul3A_43 {offsets = [0, 128], sizes = [1024, 128], strides = [1, 1]} : vector<1024x1024xf32> to vector<1024x128xf32>
    %mul3A_72 = arith.constant 8 : i32
    %mul3A_73 = arith.muli %arg0, %mul3A_72 : i32
    %add3A_74 = arith.constant 1 : i32
    %add3A_75 = arith.addi %mul3A_73, %add3A_74 : i32
    %mul3A_76 = arith.constant 128 : i32
    %mul3A_77 = arith.muli %add3A_75, %mul3A_76 : i32
    %add3A_78 = vector.broadcast %mul3A_77 : i32 to vector<1024x128xi32>
    %add3A_79 = arith.addi %add3A_78, %iota3A : vector<1024x128xi32>
    %lt3A_80 = arith.constant 100000 : i32
    %lt3A_81 = vector.broadcast %lt3A_80 : i32 to vector<1024x128xi32>
    %lt3A_82 = arith.cmpi slt, %add3A_79, %lt3A_81 : vector<1024x128xi32>
    %jit3A_83 = arith.constant 0xFF800000 : f32
    %broadcast_in_dim3A_84 = vector.broadcast %jit3A_83 : f32 to vector<1024x128xf32>
    %select_n3A_85 = arith.select %lt3A_82, %slice3A_71, %broadcast_in_dim3A_84 : vector<1024x128xi1>, vector<1024x128xf32>
    %gt3A_86 = arith.cmpf ogt, %select_n3A_85, %select_n3A_70 : vector<1024x128xf32>
    %gt3A_87 = arith.cmpf ogt, %select_n3A_85, %select_n3A_67 : vector<1024x128xf32>
    %broadcast_in_dim3A_88 = vector.broadcast %add3A_75 : i32 to vector<1024x128xi32>
    %select_n3A_89 = arith.select %gt3A_87, %broadcast_in_dim3A_88, %select_n3A_65 : vector<1024x128xi1>, vector<1024x128xi32>
    %select_n3A_90 = arith.select %gt3A_86, %select_n3A_69, %select_n3A_89 : vector<1024x128xi1>, vector<1024x128xi32>
    %select_n3A_91 = arith.select %gt3A_87, %select_n3A_85, %select_n3A_67 : vector<1024x128xi1>, vector<1024x128xf32>
    %select_n3A_92 = arith.select %gt3A_86, %select_n3A_70, %select_n3A_91 : vector<1024x128xi1>, vector<1024x128xf32>
    %broadcast_in_dim3A_93 = vector.broadcast %add3A_75 : i32 to vector<1024x128xi32>
    %select_n3A_94 = arith.select %gt3A_86, %broadcast_in_dim3A_93, %select_n3A_69 : vector<1024x128xi1>, vector<1024x128xi32>
    %select_n3A_95 = arith.select %gt3A_86, %select_n3A_85, %select_n3A_70 : vector<1024x128xi1>, vector<1024x128xf32>
    %slice3A_96 = vector.extract_strided_slice %mul3A_43 {offsets = [0, 256], sizes = [1024, 128], strides = [1, 1]} : vector<1024x1024xf32> to vector<1024x128xf32>
    %mul3A_97 = arith.constant 8 : i32
    %mul3A_98 = arith.muli %arg0, %mul3A_97 : i32
    %add3A_99 = arith.constant 2 : i32
    %add3A_100 = arith.addi %mul3A_98, %add3A_99 : i32
    %mul3A_101 = arith.constant 128 : i32
    %mul3A_102 = arith.muli %add3A_100, %mul3A_101 : i32
    %add3A_103 = vector.broadcast %mul3A_102 : i32 to vector<1024x128xi32>
    %add3A_104 = arith.addi %add3A_103, %iota3A : vector<1024x128xi32>
    %lt3A_105 = arith.constant 100000 : i32
    %lt3A_106 = vector.broadcast %lt3A_105 : i32 to vector<1024x128xi32>
    %lt3A_107 = arith.cmpi slt, %add3A_104, %lt3A_106 : vector<1024x128xi32>
    %jit3A_108 = arith.constant 0xFF800000 : f32
    %broadcast_in_dim3A_109 = vector.broadcast %jit3A_108 : f32 to vector<1024x128xf32>
    %select_n3A_110 = arith.select %lt3A_107, %slice3A_96, %broadcast_in_dim3A_109 : vector<1024x128xi1>, vector<1024x128xf32>
    %gt3A_111 = arith.cmpf ogt, %select_n3A_110, %select_n3A_95 : vector<1024x128xf32>
    %gt3A_112 = arith.cmpf ogt, %select_n3A_110, %select_n3A_92 : vector<1024x128xf32>
    %broadcast_in_dim3A_113 = vector.broadcast %add3A_100 : i32 to vector<1024x128xi32>
    %select_n3A_114 = arith.select %gt3A_112, %broadcast_in_dim3A_113, %select_n3A_90 : vector<1024x128xi1>, vector<1024x128xi32>
    %select_n3A_115 = arith.select %gt3A_111, %select_n3A_94, %select_n3A_114 : vector<1024x128xi1>, vector<1024x128xi32>
    %select_n3A_116 = arith.select %gt3A_112, %select_n3A_110, %select_n3A_92 : vector<1024x128xi1>, vector<1024x128xf32>
    %select_n3A_117 = arith.select %gt3A_111, %select_n3A_95, %select_n3A_116 : vector<1024x128xi1>, vector<1024x128xf32>
    %broadcast_in_dim3A_118 = vector.broadcast %add3A_100 : i32 to vector<1024x128xi32>
    %select_n3A_119 = arith.select %gt3A_111, %broadcast_in_dim3A_118, %select_n3A_94 : vector<1024x128xi1>, vector<1024x128xi32>
    %select_n3A_120 = arith.select %gt3A_111, %select_n3A_110, %select_n3A_95 : vector<1024x128xi1>, vector<1024x128xf32>
    %slice3A_121 = vector.extract_strided_slice %mul3A_43 {offsets = [0, 384], sizes = [1024, 128], strides = [1, 1]} : vector<1024x1024xf32> to vector<1024x128xf32>
    %mul3A_122 = arith.constant 8 : i32
    %mul3A_123 = arith.muli %arg0, %mul3A_122 : i32
    %add3A_124 = arith.constant 3 : i32
    %add3A_125 = arith.addi %mul3A_123, %add3A_124 : i32
    %mul3A_126 = arith.constant 128 : i32
    %mul3A_127 = arith.muli %add3A_125, %mul3A_126 : i32
    %add3A_128 = vector.broadcast %mul3A_127 : i32 to vector<1024x128xi32>
    %add3A_129 = arith.addi %add3A_128, %iota3A : vector<1024x128xi32>
    %lt3A_130 = arith.constant 100000 : i32
    %lt3A_131 = vector.broadcast %lt3A_130 : i32 to vector<1024x128xi32>
    %lt3A_132 = arith.cmpi slt, %add3A_129, %lt3A_131 : vector<1024x128xi32>
    %jit3A_133 = arith.constant 0xFF800000 : f32
    %broadcast_in_dim3A_134 = vector.broadcast %jit3A_133 : f32 to vector<1024x128xf32>
    %select_n3A_135 = arith.select %lt3A_132, %slice3A_121, %broadcast_in_dim3A_134 : vector<1024x128xi1>, vector<1024x128xf32>
    %gt3A_136 = arith.cmpf ogt, %select_n3A_135, %select_n3A_120 : vector<1024x128xf32>
    %gt3A_137 = arith.cmpf ogt, %select_n3A_135, %select_n3A_117 : vector<1024x128xf32>
    %broadcast_in_dim3A_138 = vector.broadcast %add3A_125 : i32 to vector<1024x128xi32>
    %select_n3A_139 = arith.select %gt3A_137, %broadcast_in_dim3A_138, %select_n3A_115 : vector<1024x128xi1>, vector<1024x128xi32>
    %select_n3A_140 = arith.select %gt3A_136, %select_n3A_119, %select_n3A_139 : vector<1024x128xi1>, vector<1024x128xi32>
    %select_n3A_141 = arith.select %gt3A_137, %select_n3A_135, %select_n3A_117 : vector<1024x128xi1>, vector<1024x128xf32>
    %select_n3A_142 = arith.select %gt3A_136, %select_n3A_120, %select_n3A_141 : vector<1024x128xi1>, vector<1024x128xf32>
    %broadcast_in_dim3A_143 = vector.broadcast %add3A_125 : i32 to vector<1024x128xi32>
    %select_n3A_144 = arith.select %gt3A_136, %broadcast_in_dim3A_143, %select_n3A_119 : vector<1024x128xi1>, vector<1024x128xi32>
    %select_n3A_145 = arith.select %gt3A_136, %select_n3A_135, %select_n3A_120 : vector<1024x128xi1>, vector<1024x128xf32>
    %slice3A_146 = vector.extract_strided_slice %mul3A_43 {offsets = [0, 512], sizes = [1024, 128], strides = [1, 1]} : vector<1024x1024xf32> to vector<1024x128xf32>
    %mul3A_147 = arith.constant 8 : i32
    %mul3A_148 = arith.muli %arg0, %mul3A_147 : i32
    %add3A_149 = arith.constant 4 : i32
    %add3A_150 = arith.addi %mul3A_148, %add3A_149 : i32
    %mul3A_151 = arith.constant 128 : i32
    %mul3A_152 = arith.muli %add3A_150, %mul3A_151 : i32
    %add3A_153 = vector.broadcast %mul3A_152 : i32 to vector<1024x128xi32>
    %add3A_154 = arith.addi %add3A_153, %iota3A : vector<1024x128xi32>
    %lt3A_155 = arith.constant 100000 : i32
    %lt3A_156 = vector.broadcast %lt3A_155 : i32 to vector<1024x128xi32>
    %lt3A_157 = arith.cmpi slt, %add3A_154, %lt3A_156 : vector<1024x128xi32>
    %jit3A_158 = arith.constant 0xFF800000 : f32
    %broadcast_in_dim3A_159 = vector.broadcast %jit3A_158 : f32 to vector<1024x128xf32>
    %select_n3A_160 = arith.select %lt3A_157, %slice3A_146, %broadcast_in_dim3A_159 : vector<1024x128xi1>, vector<1024x128xf32>
    %gt3A_161 = arith.cmpf ogt, %select_n3A_160, %select_n3A_145 : vector<1024x128xf32>
    %gt3A_162 = arith.cmpf ogt, %select_n3A_160, %select_n3A_142 : vector<1024x128xf32>
    %broadcast_in_dim3A_163 = vector.broadcast %add3A_150 : i32 to vector<1024x128xi32>
    %select_n3A_164 = arith.select %gt3A_162, %broadcast_in_dim3A_163, %select_n3A_140 : vector<1024x128xi1>, vector<1024x128xi32>
    %select_n3A_165 = arith.select %gt3A_161, %select_n3A_144, %select_n3A_164 : vector<1024x128xi1>, vector<1024x128xi32>
    %select_n3A_166 = arith.select %gt3A_162, %select_n3A_160, %select_n3A_142 : vector<1024x128xi1>, vector<1024x128xf32>
    %select_n3A_167 = arith.select %gt3A_161, %select_n3A_145, %select_n3A_166 : vector<1024x128xi1>, vector<1024x128xf32>
    %broadcast_in_dim3A_168 = vector.broadcast %add3A_150 : i32 to vector<1024x128xi32>
    %select_n3A_169 = arith.select %gt3A_161, %broadcast_in_dim3A_168, %select_n3A_144 : vector<1024x128xi1>, vector<1024x128xi32>
    %select_n3A_170 = arith.select %gt3A_161, %select_n3A_160, %select_n3A_145 : vector<1024x128xi1>, vector<1024x128xf32>
    %slice3A_171 = vector.extract_strided_slice %mul3A_43 {offsets = [0, 640], sizes = [1024, 128], strides = [1, 1]} : vector<1024x1024xf32> to vector<1024x128xf32>
    %mul3A_172 = arith.constant 8 : i32
    %mul3A_173 = arith.muli %arg0, %mul3A_172 : i32
    %add3A_174 = arith.constant 5 : i32
    %add3A_175 = arith.addi %mul3A_173, %add3A_174 : i32
    %mul3A_176 = arith.constant 128 : i32
    %mul3A_177 = arith.muli %add3A_175, %mul3A_176 : i32
    %add3A_178 = vector.broadcast %mul3A_177 : i32 to vector<1024x128xi32>
    %add3A_179 = arith.addi %add3A_178, %iota3A : vector<1024x128xi32>
    %lt3A_180 = arith.constant 100000 : i32
    %lt3A_181 = vector.broadcast %lt3A_180 : i32 to vector<1024x128xi32>
    %lt3A_182 = arith.cmpi slt, %add3A_179, %lt3A_181 : vector<1024x128xi32>
    %jit3A_183 = arith.constant 0xFF800000 : f32
    %broadcast_in_dim3A_184 = vector.broadcast %jit3A_183 : f32 to vector<1024x128xf32>
    %select_n3A_185 = arith.select %lt3A_182, %slice3A_171, %broadcast_in_dim3A_184 : vector<1024x128xi1>, vector<1024x128xf32>
    %gt3A_186 = arith.cmpf ogt, %select_n3A_185, %select_n3A_170 : vector<1024x128xf32>
    %gt3A_187 = arith.cmpf ogt, %select_n3A_185, %select_n3A_167 : vector<1024x128xf32>
    %broadcast_in_dim3A_188 = vector.broadcast %add3A_175 : i32 to vector<1024x128xi32>
    %select_n3A_189 = arith.select %gt3A_187, %broadcast_in_dim3A_188, %select_n3A_165 : vector<1024x128xi1>, vector<1024x128xi32>
    %select_n3A_190 = arith.select %gt3A_186, %select_n3A_169, %select_n3A_189 : vector<1024x128xi1>, vector<1024x128xi32>
    %select_n3A_191 = arith.select %gt3A_187, %select_n3A_185, %select_n3A_167 : vector<1024x128xi1>, vector<1024x128xf32>
    %select_n3A_192 = arith.select %gt3A_186, %select_n3A_170, %select_n3A_191 : vector<1024x128xi1>, vector<1024x128xf32>
    %broadcast_in_dim3A_193 = vector.broadcast %add3A_175 : i32 to vector<1024x128xi32>
    %select_n3A_194 = arith.select %gt3A_186, %broadcast_in_dim3A_193, %select_n3A_169 : vector<1024x128xi1>, vector<1024x128xi32>
    %select_n3A_195 = arith.select %gt3A_186, %select_n3A_185, %select_n3A_170 : vector<1024x128xi1>, vector<1024x128xf32>
    %slice3A_196 = vector.extract_strided_slice %mul3A_43 {offsets = [0, 768], sizes = [1024, 128], strides = [1, 1]} : vector<1024x1024xf32> to vector<1024x128xf32>
    %mul3A_197 = arith.constant 8 : i32
    %mul3A_198 = arith.muli %arg0, %mul3A_197 : i32
    %add3A_199 = arith.constant 6 : i32
    %add3A_200 = arith.addi %mul3A_198, %add3A_199 : i32
    %mul3A_201 = arith.constant 128 : i32
    %mul3A_202 = arith.muli %add3A_200, %mul3A_201 : i32
    %add3A_203 = vector.broadcast %mul3A_202 : i32 to vector<1024x128xi32>
    %add3A_204 = arith.addi %add3A_203, %iota3A : vector<1024x128xi32>
    %lt3A_205 = arith.constant 100000 : i32
    %lt3A_206 = vector.broadcast %lt3A_205 : i32 to vector<1024x128xi32>
    %lt3A_207 = arith.cmpi slt, %add3A_204, %lt3A_206 : vector<1024x128xi32>
    %jit3A_208 = arith.constant 0xFF800000 : f32
    %broadcast_in_dim3A_209 = vector.broadcast %jit3A_208 : f32 to vector<1024x128xf32>
    %select_n3A_210 = arith.select %lt3A_207, %slice3A_196, %broadcast_in_dim3A_209 : vector<1024x128xi1>, vector<1024x128xf32>
    %gt3A_211 = arith.cmpf ogt, %select_n3A_210, %select_n3A_195 : vector<1024x128xf32>
    %gt3A_212 = arith.cmpf ogt, %select_n3A_210, %select_n3A_192 : vector<1024x128xf32>
    %broadcast_in_dim3A_213 = vector.broadcast %add3A_200 : i32 to vector<1024x128xi32>
    %select_n3A_214 = arith.select %gt3A_212, %broadcast_in_dim3A_213, %select_n3A_190 : vector<1024x128xi1>, vector<1024x128xi32>
    %select_n3A_215 = arith.select %gt3A_211, %select_n3A_194, %select_n3A_214 : vector<1024x128xi1>, vector<1024x128xi32>
    %select_n3A_216 = arith.select %gt3A_212, %select_n3A_210, %select_n3A_192 : vector<1024x128xi1>, vector<1024x128xf32>
    %select_n3A_217 = arith.select %gt3A_211, %select_n3A_195, %select_n3A_216 : vector<1024x128xi1>, vector<1024x128xf32>
    %broadcast_in_dim3A_218 = vector.broadcast %add3A_200 : i32 to vector<1024x128xi32>
    %select_n3A_219 = arith.select %gt3A_211, %broadcast_in_dim3A_218, %select_n3A_194 : vector<1024x128xi1>, vector<1024x128xi32>
    %select_n3A_220 = arith.select %gt3A_211, %select_n3A_210, %select_n3A_195 : vector<1024x128xi1>, vector<1024x128xf32>
    %slice3A_221 = vector.extract_strided_slice %mul3A_43 {offsets = [0, 896], sizes = [1024, 128], strides = [1, 1]} : vector<1024x1024xf32> to vector<1024x128xf32>
    %mul3A_222 = arith.constant 8 : i32
    %mul3A_223 = arith.muli %arg0, %mul3A_222 : i32
    %add3A_224 = arith.constant 7 : i32
    %add3A_225 = arith.addi %mul3A_223, %add3A_224 : i32
    %mul3A_226 = arith.constant 128 : i32
    %mul3A_227 = arith.muli %add3A_225, %mul3A_226 : i32
    %add3A_228 = vector.broadcast %mul3A_227 : i32 to vector<1024x128xi32>
    %add3A_229 = arith.addi %add3A_228, %iota3A : vector<1024x128xi32>
    %lt3A_230 = arith.constant 100000 : i32
    %lt3A_231 = vector.broadcast %lt3A_230 : i32 to vector<1024x128xi32>
    %lt3A_232 = arith.cmpi slt, %add3A_229, %lt3A_231 : vector<1024x128xi32>
    %jit3A_233 = arith.constant 0xFF800000 : f32
    %broadcast_in_dim3A_234 = vector.broadcast %jit3A_233 : f32 to vector<1024x128xf32>
    %select_n3A_235 = arith.select %lt3A_232, %slice3A_221, %broadcast_in_dim3A_234 : vector<1024x128xi1>, vector<1024x128xf32>
    %gt3A_236 = arith.cmpf ogt, %select_n3A_235, %select_n3A_220 : vector<1024x128xf32>
    %gt3A_237 = arith.cmpf ogt, %select_n3A_235, %select_n3A_217 : vector<1024x128xf32>
    %broadcast_in_dim3A_238 = vector.broadcast %add3A_225 : i32 to vector<1024x128xi32>
    %select_n3A_239 = arith.select %gt3A_237, %broadcast_in_dim3A_238, %select_n3A_215 : vector<1024x128xi1>, vector<1024x128xi32>
    %select_n3A_240 = arith.select %gt3A_236, %select_n3A_219, %select_n3A_239 : vector<1024x128xi1>, vector<1024x128xi32>
    %select_n3A_241 = arith.select %gt3A_237, %select_n3A_235, %select_n3A_217 : vector<1024x128xi1>, vector<1024x128xf32>
    %select_n3A_242 = arith.select %gt3A_236, %select_n3A_220, %select_n3A_241 : vector<1024x128xi1>, vector<1024x128xf32>
    %broadcast_in_dim3A_243 = vector.broadcast %add3A_225 : i32 to vector<1024x128xi32>
    %select_n3A_244 = arith.select %gt3A_236, %broadcast_in_dim3A_243, %select_n3A_219 : vector<1024x128xi1>, vector<1024x128xi32>
    %select_n3A_245 = arith.select %gt3A_236, %select_n3A_235, %select_n3A_220 : vector<1024x128xi1>, vector<1024x128xf32>
    %get3A_246 = arith.constant 0 : index
    %get3A_247 = arith.constant 0 : index
    %get3A_248 = vector.load %arg10[%get3A_246, %get3A_247] : memref<1024x128xf32, #tpu.memory_space<vmem>>, vector<1024x128xf32>
    %get3A_249 = arith.constant 0 : index
    %get3A_250 = arith.constant 0 : index
    %get3A_251 = vector.load %arg11[%get3A_249, %get3A_250] : memref<1024x128xf32, #tpu.memory_space<vmem>>, vector<1024x128xf32>
    %get3A_252 = arith.constant 0 : index
    %get3A_253 = arith.constant 0 : index
    %get3A_254 = vector.load %arg12[%get3A_252, %get3A_253] : memref<1024x128xf32, #tpu.memory_space<vmem>>, vector<1024x128xf32>
    %get3A_255 = arith.constant 0 : index
    %get3A_256 = arith.constant 0 : index
    %get3A_257 = vector.load %arg13[%get3A_255, %get3A_256] : memref<1024x128xf32, #tpu.memory_space<vmem>>, vector<1024x128xf32>
    %get3A_258 = arith.constant 0 : index
    %get3A_259 = arith.constant 0 : index
    %get3A_260 = vector.load %arg14[%get3A_258, %get3A_259] : memref<1024x128xi32, #tpu.memory_space<vmem>>, vector<1024x128xi32>
    %get3A_261 = arith.constant 0 : index
    %get3A_262 = arith.constant 0 : index
    %get3A_263 = vector.load %arg15[%get3A_261, %get3A_262] : memref<1024x128xi32, #tpu.memory_space<vmem>>, vector<1024x128xi32>
    %get3A_264 = arith.constant 0 : index
    %get3A_265 = arith.constant 0 : index
    %get3A_266 = vector.load %arg16[%get3A_264, %get3A_265] : memref<1024x128xi32, #tpu.memory_space<vmem>>, vector<1024x128xi32>
    %get3A_267 = arith.constant 0 : index
    %get3A_268 = arith.constant 0 : index
    %get3A_269 = vector.load %arg17[%get3A_267, %get3A_268] : memref<1024x128xi32, #tpu.memory_space<vmem>>, vector<1024x128xi32>
    %gt3A_270 = arith.cmpf ogt, %select_n3A_245, %get3A_248 : vector<1024x128xf32>
    %gt3A_271 = arith.cmpf ogt, %select_n3A_245, %get3A_251 : vector<1024x128xf32>
    %gt3A_272 = arith.cmpf ogt, %select_n3A_245, %get3A_254 : vector<1024x128xf32>
    %gt3A_273 = arith.cmpf ogt, %select_n3A_245, %get3A_257 : vector<1024x128xf32>
    %select_n3A_274 = arith.select %gt3A_273, %select_n3A_245, %get3A_257 : vector<1024x128xi1>, vector<1024x128xf32>
    %select_n3A_275 = arith.select %gt3A_272, %get3A_254, %select_n3A_274 : vector<1024x128xi1>, vector<1024x128xf32>
    %swap3A = arith.constant 0 : index
    %swap3A_276 = arith.constant 0 : index
    %swap3A_277 = vector.load %arg13[%swap3A, %swap3A_276] : memref<1024x128xf32, #tpu.memory_space<vmem>>, vector<1024x128xf32>
    tpu.vector_store %arg13[%swap3A, %swap3A_276], %select_n3A_275 {strides = array<i32>} : memref<1024x128xf32, #tpu.memory_space<vmem>>, vector<1024x128xf32>,
    %select_n3A_278 = arith.select %gt3A_273, %select_n3A_244, %get3A_269 : vector<1024x128xi1>, vector<1024x128xi32>
    %select_n3A_279 = arith.select %gt3A_272, %get3A_266, %select_n3A_278 : vector<1024x128xi1>, vector<1024x128xi32>
    %swap3A_280 = arith.constant 0 : index
    %swap3A_281 = arith.constant 0 : index
    %swap3A_282 = vector.load %arg17[%swap3A_280, %swap3A_281] : memref<1024x128xi32, #tpu.memory_space<vmem>>, vector<1024x128xi32>
    tpu.vector_store %arg17[%swap3A_280, %swap3A_281], %select_n3A_279 {strides = array<i32>} : memref<1024x128xi32, #tpu.memory_space<vmem>>, vector<1024x128xi32>,
    %select_n3A_283 = arith.select %gt3A_272, %select_n3A_245, %get3A_254 : vector<1024x128xi1>, vector<1024x128xf32>
    %select_n3A_284 = arith.select %gt3A_271, %get3A_251, %select_n3A_283 : vector<1024x128xi1>, vector<1024x128xf32>
    %swap3A_285 = arith.constant 0 : index
    %swap3A_286 = arith.constant 0 : index
    %swap3A_287 = vector.load %arg12[%swap3A_285, %swap3A_286] : memref<1024x128xf32, #tpu.memory_space<vmem>>, vector<1024x128xf32>
    tpu.vector_store %arg12[%swap3A_285, %swap3A_286], %select_n3A_284 {strides = array<i32>} : memref<1024x128xf32, #tpu.memory_space<vmem>>, vector<1024x128xf32>,
    %select_n3A_288 = arith.select %gt3A_272, %select_n3A_244, %get3A_266 : vector<1024x128xi1>, vector<1024x128xi32>
    %select_n3A_289 = arith.select %gt3A_271, %get3A_263, %select_n3A_288 : vector<1024x128xi1>, vector<1024x128xi32>
    %swap3A_290 = arith.constant 0 : index
    %swap3A_291 = arith.constant 0 : index
    %swap3A_292 = vector.load %arg16[%swap3A_290, %swap3A_291] : memref<1024x128xi32, #tpu.memory_space<vmem>>, vector<1024x128xi32>
    tpu.vector_store %arg16[%swap3A_290, %swap3A_291], %select_n3A_289 {strides = array<i32>} : memref<1024x128xi32, #tpu.memory_space<vmem>>, vector<1024x128xi32>,
    %select_n3A_293 = arith.select %gt3A_271, %select_n3A_245, %get3A_251 : vector<1024x128xi1>, vector<1024x128xf32>
    %select_n3A_294 = arith.select %gt3A_270, %get3A_248, %select_n3A_293 : vector<1024x128xi1>, vector<1024x128xf32>
    %swap3A_295 = arith.constant 0 : index
    %swap3A_296 = arith.constant 0 : index
    %swap3A_297 = vector.load %arg11[%swap3A_295, %swap3A_296] : memref<1024x128xf32, #tpu.memory_space<vmem>>, vector<1024x128xf32>
    tpu.vector_store %arg11[%swap3A_295, %swap3A_296], %select_n3A_294 {strides = array<i32>} : memref<1024x128xf32, #tpu.memory_space<vmem>>, vector<1024x128xf32>,
    %select_n3A_298 = arith.select %gt3A_271, %select_n3A_244, %get3A_263 : vector<1024x128xi1>, vector<1024x128xi32>
    %select_n3A_299 = arith.select %gt3A_270, %get3A_260, %select_n3A_298 : vector<1024x128xi1>, vector<1024x128xi32>
    %swap3A_300 = arith.constant 0 : index
    %swap3A_301 = arith.constant 0 : index
    %swap3A_302 = vector.load %arg15[%swap3A_300, %swap3A_301] : memref<1024x128xi32, #tpu.memory_space<vmem>>, vector<1024x128xi32>
    tpu.vector_store %arg15[%swap3A_300, %swap3A_301], %select_n3A_299 {strides = array<i32>} : memref<1024x128xi32, #tpu.memory_space<vmem>>, vector<1024x128xi32>,
    %select_n3A_303 = arith.select %gt3A_270, %select_n3A_245, %get3A_248 : vector<1024x128xi1>, vector<1024x128xf32>
    %swap3A_304 = arith.constant 0 : index
    %swap3A_305 = arith.constant 0 : index
    %swap3A_306 = vector.load %arg10[%swap3A_304, %swap3A_305] : memref<1024x128xf32, #tpu.memory_space<vmem>>, vector<1024x128xf32>
    tpu.vector_store %arg10[%swap3A_304, %swap3A_305], %select_n3A_303 {strides = array<i32>} : memref<1024x128xf32, #tpu.memory_space<vmem>>, vector<1024x128xf32>,
    %select_n3A_307 = arith.select %gt3A_270, %select_n3A_244, %get3A_260 : vector<1024x128xi1>, vector<1024x128xi32>
    %swap3A_308 = arith.constant 0 : index
    %swap3A_309 = arith.constant 0 : index
    %swap3A_310 = vector.load %arg14[%swap3A_308, %swap3A_309] : memref<1024x128xi32, #tpu.memory_space<vmem>>, vector<1024x128xi32>
    tpu.vector_store %arg14[%swap3A_308, %swap3A_309], %select_n3A_307 {strides = array<i32>} : memref<1024x128xi32, #tpu.memory_space<vmem>>, vector<1024x128xi32>,
    %get3A_311 = arith.constant 0 : index
    %get3A_312 = arith.constant 0 : index
    %get3A_313 = vector.load %arg10[%get3A_311, %get3A_312] : memref<1024x128xf32, #tpu.memory_space<vmem>>, vector<1024x128xf32>
    %get3A_314 = arith.constant 0 : index
    %get3A_315 = arith.constant 0 : index
    %get3A_316 = vector.load %arg11[%get3A_314, %get3A_315] : memref<1024x128xf32, #tpu.memory_space<vmem>>, vector<1024x128xf32>
    %get3A_317 = arith.constant 0 : index
    %get3A_318 = arith.constant 0 : index
    %get3A_319 = vector.load %arg12[%get3A_317, %get3A_318] : memref<1024x128xf32, #tpu.memory_space<vmem>>, vector<1024x128xf32>
    %get3A_320 = arith.constant 0 : index
    %get3A_321 = arith.constant 0 : index
    %get3A_322 = vector.load %arg13[%get3A_320, %get3A_321] : memref<1024x128xf32, #tpu.memory_space<vmem>>, vector<1024x128xf32>
    %get3A_323 = arith.constant 0 : index
    %get3A_324 = arith.constant 0 : index
    %get3A_325 = vector.load %arg14[%get3A_323, %get3A_324] : memref<1024x128xi32, #tpu.memory_space<vmem>>, vector<1024x128xi32>
    %get3A_326 = arith.constant 0 : index
    %get3A_327 = arith.constant 0 : index
    %get3A_328 = vector.load %arg15[%get3A_326, %get3A_327] : memref<1024x128xi32, #tpu.memory_space<vmem>>, vector<1024x128xi32>
    %get3A_329 = arith.constant 0 : index
    %get3A_330 = arith.constant 0 : index
    %get3A_331 = vector.load %arg16[%get3A_329, %get3A_330] : memref<1024x128xi32, #tpu.memory_space<vmem>>, vector<1024x128xi32>
    %get3A_332 = arith.constant 0 : index
    %get3A_333 = arith.constant 0 : index
    %get3A_334 = vector.load %arg17[%get3A_332, %get3A_333] : memref<1024x128xi32, #tpu.memory_space<vmem>>, vector<1024x128xi32>
    %gt3A_335 = arith.cmpf ogt, %select_n3A_242, %get3A_313 : vector<1024x128xf32>
    %gt3A_336 = arith.cmpf ogt, %select_n3A_242, %get3A_316 : vector<1024x128xf32>
    %gt3A_337 = arith.cmpf ogt, %select_n3A_242, %get3A_319 : vector<1024x128xf32>
    %gt3A_338 = arith.cmpf ogt, %select_n3A_242, %get3A_322 : vector<1024x128xf32>
    %select_n3A_339 = arith.select %gt3A_338, %select_n3A_242, %get3A_322 : vector<1024x128xi1>, vector<1024x128xf32>
    %select_n3A_340 = arith.select %gt3A_337, %get3A_319, %select_n3A_339 : vector<1024x128xi1>, vector<1024x128xf32>
    %swap3A_341 = arith.constant 0 : index
    %swap3A_342 = arith.constant 0 : index
    %swap3A_343 = vector.load %arg13[%swap3A_341, %swap3A_342] : memref<1024x128xf32, #tpu.memory_space<vmem>>, vector<1024x128xf32>
    tpu.vector_store %arg13[%swap3A_341, %swap3A_342], %select_n3A_340 {strides = array<i32>} : memref<1024x128xf32, #tpu.memory_space<vmem>>, vector<1024x128xf32>,
    %select_n3A_344 = arith.select %gt3A_338, %select_n3A_240, %get3A_334 : vector<1024x128xi1>, vector<1024x128xi32>
    %select_n3A_345 = arith.select %gt3A_337, %get3A_331, %select_n3A_344 : vector<1024x128xi1>, vector<1024x128xi32>
    %swap3A_346 = arith.constant 0 : index
    %swap3A_347 = arith.constant 0 : index
    %swap3A_348 = vector.load %arg17[%swap3A_346, %swap3A_347] : memref<1024x128xi32, #tpu.memory_space<vmem>>, vector<1024x128xi32>
    tpu.vector_store %arg17[%swap3A_346, %swap3A_347], %select_n3A_345 {strides = array<i32>} : memref<1024x128xi32, #tpu.memory_space<vmem>>, vector<1024x128xi32>,
    %select_n3A_349 = arith.select %gt3A_337, %select_n3A_242, %get3A_319 : vector<1024x128xi1>, vector<1024x128xf32>
    %select_n3A_350 = arith.select %gt3A_336, %get3A_316, %select_n3A_349 : vector<1024x128xi1>, vector<1024x128xf32>
    %swap3A_351 = arith.constant 0 : index
    %swap3A_352 = arith.constant 0 : index
    %swap3A_353 = vector.load %arg12[%swap3A_351, %swap3A_352] : memref<1024x128xf32, #tpu.memory_space<vmem>>, vector<1024x128xf32>
    tpu.vector_store %arg12[%swap3A_351, %swap3A_352], %select_n3A_350 {strides = array<i32>} : memref<1024x128xf32, #tpu.memory_space<vmem>>, vector<1024x128xf32>,
    %select_n3A_354 = arith.select %gt3A_337, %select_n3A_240, %get3A_331 : vector<1024x128xi1>, vector<1024x128xi32>
    %select_n3A_355 = arith.select %gt3A_336, %get3A_328, %select_n3A_354 : vector<1024x128xi1>, vector<1024x128xi32>
    %swap3A_356 = arith.constant 0 : index
    %swap3A_357 = arith.constant 0 : index
    %swap3A_358 = vector.load %arg16[%swap3A_356, %swap3A_357] : memref<1024x128xi32, #tpu.memory_space<vmem>>, vector<1024x128xi32>
    tpu.vector_store %arg16[%swap3A_356, %swap3A_357], %select_n3A_355 {strides = array<i32>} : memref<1024x128xi32, #tpu.memory_space<vmem>>, vector<1024x128xi32>,
    %select_n3A_359 = arith.select %gt3A_336, %select_n3A_242, %get3A_316 : vector<1024x128xi1>, vector<1024x128xf32>
    %select_n3A_360 = arith.select %gt3A_335, %get3A_313, %select_n3A_359 : vector<1024x128xi1>, vector<1024x128xf32>
    %swap3A_361 = arith.constant 0 : index
    %swap3A_362 = arith.constant 0 : index
    %swap3A_363 = vector.load %arg11[%swap3A_361, %swap3A_362] : memref<1024x128xf32, #tpu.memory_space<vmem>>, vector<1024x128xf32>
    tpu.vector_store %arg11[%swap3A_361, %swap3A_362], %select_n3A_360 {strides = array<i32>} : memref<1024x128xf32, #tpu.memory_space<vmem>>, vector<1024x128xf32>,
    %select_n3A_364 = arith.select %gt3A_336, %select_n3A_240, %get3A_328 : vector<1024x128xi1>, vector<1024x128xi32>
    %select_n3A_365 = arith.select %gt3A_335, %get3A_325, %select_n3A_364 : vector<1024x128xi1>, vector<1024x128xi32>
    %swap3A_366 = arith.constant 0 : index
    %swap3A_367 = arith.constant 0 : index
    %swap3A_368 = vector.load %arg15[%swap3A_366, %swap3A_367] : memref<1024x128xi32, #tpu.memory_space<vmem>>, vector<1024x128xi32>
    tpu.vector_store %arg15[%swap3A_366, %swap3A_367], %select_n3A_365 {strides = array<i32>} : memref<1024x128xi32, #tpu.memory_space<vmem>>, vector<1024x128xi32>,
    %select_n3A_369 = arith.select %gt3A_335, %select_n3A_242, %get3A_313 : vector<1024x128xi1>, vector<1024x128xf32>
    %swap3A_370 = arith.constant 0 : index
    %swap3A_371 = arith.constant 0 : index
    %swap3A_372 = vector.load %arg10[%swap3A_370, %swap3A_371] : memref<1024x128xf32, #tpu.memory_space<vmem>>, vector<1024x128xf32>
    tpu.vector_store %arg10[%swap3A_370, %swap3A_371], %select_n3A_369 {strides = array<i32>} : memref<1024x128xf32, #tpu.memory_space<vmem>>, vector<1024x128xf32>,
    %select_n3A_373 = arith.select %gt3A_335, %select_n3A_240, %get3A_325 : vector<1024x128xi1>, vector<1024x128xi32>
    %swap3A_374 = arith.constant 0 : index
    %swap3A_375 = arith.constant 0 : index
    %swap3A_376 = vector.load %arg14[%swap3A_374, %swap3A_375] : memref<1024x128xi32, #tpu.memory_space<vmem>>, vector<1024x128xi32>
    tpu.vector_store %arg14[%swap3A_374, %swap3A_375], %select_n3A_373 {strides = array<i32>} : memref<1024x128xi32, #tpu.memory_space<vmem>>, vector<1024x128xi32>,
    %eq3A_377 = arith.constant 97 : i32
    %eq3A_378 = arith.cmpi eq, %arg0, %eq3A_377 : i32
    %convert_element_type3A_379 = arith.extui %eq3A_378 : i1 to i32
    %cond3A_380 = arith.constant 0 : i32
    %cond3A_381 = arith.cmpi ne, %convert_element_type3A_379, %cond3A_380 : i32
    scf.if %cond3A_381 {
      %get3A_382 = arith.constant 0 : index
      %get3A_383 = arith.constant 0 : index
      %get3A_384 = vector.load %arg10[%get3A_382, %get3A_383] : memref<1024x128xf32, #tpu.memory_space<vmem>>, vector<1024x128xf32>
      %get3A_385 = arith.constant 0 : index
      %get3A_386 = arith.constant 0 : index
      %get3A_387 = vector.load %arg11[%get3A_385, %get3A_386] : memref<1024x128xf32, #tpu.memory_space<vmem>>, vector<1024x128xf32>
      %get3A_388 = arith.constant 0 : index
      %get3A_389 = arith.constant 0 : index
      %get3A_390 = vector.load %arg12[%get3A_388, %get3A_389] : memref<1024x128xf32, #tpu.memory_space<vmem>>, vector<1024x128xf32>
      %get3A_391 = arith.constant 0 : index
      %get3A_392 = arith.constant 0 : index
      %get3A_393 = vector.load %arg13[%get3A_391, %get3A_392] : memref<1024x128xf32, #tpu.memory_space<vmem>>, vector<1024x128xf32>
      %concatenate3A = tpu.concatenate %get3A_384, %get3A_387, %get3A_390, %get3A_393 in 1 : vector<1024x128xf32>, vector<1024x128xf32>, vector<1024x128xf32>, vector<1024x128xf32> -> vector<1024x512xf32>
      %get3A_394 = arith.constant 0 : index
      %get3A_395 = arith.constant 0 : index
      %get3A_396 = vector.load %arg14[%get3A_394, %get3A_395] : memref<1024x128xi32, #tpu.memory_space<vmem>>, vector<1024x128xi32>
      %get3A_397 = arith.constant 0 : index
      %get3A_398 = arith.constant 0 : index
      %get3A_399 = vector.load %arg15[%get3A_397, %get3A_398] : memref<1024x128xi32, #tpu.memory_space<vmem>>, vector<1024x128xi32>
      %get3A_400 = arith.constant 0 : index
      %get3A_401 = arith.constant 0 : index
      %get3A_402 = vector.load %arg16[%get3A_400, %get3A_401] : memref<1024x128xi32, #tpu.memory_space<vmem>>, vector<1024x128xi32>
      %get3A_403 = arith.constant 0 : index
      %get3A_404 = arith.constant 0 : index
      %get3A_405 = vector.load %arg17[%get3A_403, %get3A_404] : memref<1024x128xi32, #tpu.memory_space<vmem>>, vector<1024x128xi32>
      %concatenate3A_406 = tpu.concatenate %get3A_396, %get3A_399, %get3A_402, %get3A_405 in 1 : vector<1024x128xi32>, vector<1024x128xi32>, vector<1024x128xi32>, vector<1024x128xi32> -> vector<1024x512xi32>
      %iota3A_407 = tpu.iota {dimensions = array<i32: 1>} : vector<1024x512xi32>
      %jit3A_408 = arith.constant 128 : i32
      %eq3A_409 = arith.constant 0 : i32
      %eq3A_410 = arith.cmpi eq, %jit3A_408, %eq3A_409 : i32
      %jit3A_411 = arith.constant 1 : i32
      %select_n3A_412 = arith.select %eq3A_410, %jit3A_411, %jit3A_408 : i32
      %rem3A = vector.broadcast %select_n3A_412 : i32 to vector<1024x512xi32>
      %rem3A_413 = arith.remsi %iota3A_407, %rem3A : vector<1024x512xi32>
      %ne3A = arith.constant 0 : i32
      %ne3A_414 = vector.broadcast %ne3A : i32 to vector<1024x512xi32>
      %ne3A_415 = arith.cmpi ne, %rem3A_413, %ne3A_414 : vector<1024x512xi32>
      %lt3A_416 = arith.constant 0 : i32
      %lt3A_417 = vector.broadcast %lt3A_416 : i32 to vector<1024x512xi32>
      %lt3A_418 = arith.cmpi slt, %rem3A_413, %lt3A_417 : vector<1024x512xi32>
      %lt3A_419 = arith.constant 0 : i32
      %lt3A_420 = arith.cmpi slt, %select_n3A_412, %lt3A_419 : i32
      %ne3A_421 = vector.broadcast %lt3A_420 : i1 to vector<1024x512xi1>
      %ne3A_422 = vector.broadcast %ne3A_421 : vector<1024x512xi1> to vector<1024x512xi1>
      %ne3A_423 = arith.xori %lt3A_418, %ne3A_422 : vector<1024x512xi1>
      %and3A = arith.andi %ne3A_423, %ne3A_415 : vector<1024x512xi1>
      %add3A_424 = vector.broadcast %select_n3A_412 : i32 to vector<1024x512xi32>
      %add3A_425 = arith.addi %rem3A_413, %add3A_424 : vector<1024x512xi32>
      %select_n3A_426 = arith.select %and3A, %add3A_425, %rem3A_413 : vector<1024x512xi1>, vector<1024x512xi32>
      %mul3A_427 = arith.constant 128 : i32
      %mul3A_428 = vector.broadcast %mul3A_427 : i32 to vector<1024x512xi32>
      %mul3A_429 = arith.muli %concatenate3A_406, %mul3A_428 : vector<1024x512xi32>
      %add3A_430 = arith.addi %mul3A_429, %select_n3A_426 : vector<1024x512xi32>
      %ge3A = arith.constant 100000 : i32
      %ge3A_431 = vector.broadcast %ge3A : i32 to vector<1024x512xi32>
      %ge3A_432 = arith.cmpi sge, %add3A_430, %ge3A_431 : vector<1024x512xi32>
      %jit3A_433 = arith.constant 0xFF800000 : f32
      %broadcast_in_dim3A_434 = vector.broadcast %jit3A_433 : f32 to vector<1024x512xf32>
      %select_n3A_435 = arith.select %ge3A_432, %broadcast_in_dim3A_434, %concatenate3A : vector<1024x512xi1>, vector<1024x512xf32>
      %iota3A_436 = tpu.iota {dimensions = array<i32: 1>} : vector<1024x128xi32>
      %broadcast_in_dim3A_437 = arith.constant 0.000000e+00 : f32
      %broadcast_in_dim3A_438 = vector.broadcast %broadcast_in_dim3A_437 : f32 to vector<1024x128xf32>
      %broadcast_in_dim3A_439 = arith.constant 0 : i32
      %broadcast_in_dim3A_440 = vector.broadcast %broadcast_in_dim3A_439 : i32 to vector<1024x128xi32>
      %reduce_max3A = arith.constant dense<0xFF800000> : vector<1024xf32>
      %reduce_max3A_441 = vector.multi_reduction <maximumf>, %select_n3A_435, %reduce_max3A [1] : vector<1024x512xf32> to vector<1024xf32>
      %broadcast_in_dim3A_442 = vector.shape_cast %reduce_max3A_441 : vector<1024xf32> to vector<1024x1xf32>
      %eq3A_443 = vector.broadcast %broadcast_in_dim3A_442 : vector<1024x1xf32> to vector<1024x512xf32>
      %eq3A_444 = arith.cmpf oeq, %select_n3A_435, %eq3A_443 : vector<1024x512xf32>
      %jit3A_445 = arith.constant 2147483647 : i32
      %broadcast_in_dim3A_446 = vector.broadcast %jit3A_445 : i32 to vector<1024x512xi32>
      %select_n3A_447 = arith.select %eq3A_444, %add3A_430, %broadcast_in_dim3A_446 : vector<1024x512xi1>, vector<1024x512xi32>
      %reduce_min3A = arith.constant dense<2147483647> : vector<1024xi32>
      %reduce_min3A_448 = vector.multi_reduction <minsi>, %select_n3A_447, %reduce_min3A [1] : vector<1024x512xi32> to vector<1024xi32>
      %broadcast_in_dim3A_449 = vector.shape_cast %reduce_min3A_448 : vector<1024xi32> to vector<1024x1xi32>
      %eq3A_450 = arith.constant 0 : i32
      %eq3A_451 = vector.broadcast %eq3A_450 : i32 to vector<1024x128xi32>
      %eq3A_452 = arith.cmpi eq, %iota3A_436, %eq3A_451 : vector<1024x128xi32>
      %broadcast_in_dim3A_453 = vector.shape_cast %broadcast_in_dim3A_442 : vector<1024x1xf32> to vector<1024x1xf32>
      %broadcast_in_dim3A_454 = vector.broadcast %broadcast_in_dim3A_453 : vector<1024x1xf32> to vector<1024x128xf32>
      %select_n3A_455 = arith.select %eq3A_452, %broadcast_in_dim3A_454, %broadcast_in_dim3A_438 : vector<1024x128xi1>, vector<1024x128xf32>
      %eq3A_456 = arith.constant 0 : i32
      %eq3A_457 = vector.broadcast %eq3A_456 : i32 to vector<1024x128xi32>
      %eq3A_458 = arith.cmpi eq, %iota3A_436, %eq3A_457 : vector<1024x128xi32>
      %broadcast_in_dim3A_459 = vector.shape_cast %broadcast_in_dim3A_449 : vector<1024x1xi32> to vector<1024x1xi32>
      %broadcast_in_dim3A_460 = vector.broadcast %broadcast_in_dim3A_459 : vector<1024x1xi32> to vector<1024x128xi32>
      %select_n3A_461 = arith.select %eq3A_458, %broadcast_in_dim3A_460, %broadcast_in_dim3A_440 : vector<1024x128xi1>, vector<1024x128xi32>
      %eq3A_462 = vector.broadcast %broadcast_in_dim3A_449 : vector<1024x1xi32> to vector<1024x512xi32>
      %eq3A_463 = arith.cmpi eq, %add3A_430, %eq3A_462 : vector<1024x512xi32>
      %and3A_464 = arith.andi %eq3A_444, %eq3A_463 : vector<1024x512xi1>
      %jit3A_465 = arith.constant 0xFF800000 : f32
      %broadcast_in_dim3A_466 = vector.broadcast %jit3A_465 : f32 to vector<1024x512xf32>
      %select_n3A_467 = arith.select %and3A_464, %broadcast_in_dim3A_466, %select_n3A_435 : vector<1024x512xi1>, vector<1024x512xf32>
      %reduce_max3A_468 = arith.constant dense<0xFF800000> : vector<1024xf32>
      %reduce_max3A_469 = vector.multi_reduction <maximumf>, %select_n3A_467, %reduce_max3A_468 [1] : vector<1024x512xf32> to vector<1024xf32>
      %broadcast_in_dim3A_470 = vector.shape_cast %reduce_max3A_469 : vector<1024xf32> to vector<1024x1xf32>
      %eq3A_471 = vector.broadcast %broadcast_in_dim3A_470 : vector<1024x1xf32> to vector<1024x512xf32>
      %eq3A_472 = arith.cmpf oeq, %select_n3A_467, %eq3A_471 : vector<1024x512xf32>
      %jit3A_473 = arith.constant 2147483647 : i32
      %broadcast_in_dim3A_474 = vector.broadcast %jit3A_473 : i32 to vector<1024x512xi32>
      %select_n3A_475 = arith.select %eq3A_472, %add3A_430, %broadcast_in_dim3A_474 : vector<1024x512xi1>, vector<1024x512xi32>
      %reduce_min3A_476 = arith.constant dense<2147483647> : vector<1024xi32>
      %reduce_min3A_477 = vector.multi_reduction <minsi>, %select_n3A_475, %reduce_min3A_476 [1] : vector<1024x512xi32> to vector<1024xi32>
      %broadcast_in_dim3A_478 = vector.shape_cast %reduce_min3A_477 : vector<1024xi32> to vector<1024x1xi32>
      %eq3A_479 = arith.constant 1 : i32
      %eq3A_480 = vector.broadcast %eq3A_479 : i32 to vector<1024x128xi32>
      %eq3A_481 = arith.cmpi eq, %iota3A_436, %eq3A_480 : vector<1024x128xi32>
      %broadcast_in_dim3A_482 = vector.shape_cast %broadcast_in_dim3A_470 : vector<1024x1xf32> to vector<1024x1xf32>
      %broadcast_in_dim3A_483 = vector.broadcast %broadcast_in_dim3A_482 : vector<1024x1xf32> to vector<1024x128xf32>
      %select_n3A_484 = arith.select %eq3A_481, %broadcast_in_dim3A_483, %select_n3A_455 : vector<1024x128xi1>, vector<1024x128xf32>
      %eq3A_485 = arith.constant 1 : i32
      %eq3A_486 = vector.broadcast %eq3A_485 : i32 to vector<1024x128xi32>
      %eq3A_487 = arith.cmpi eq, %iota3A_436, %eq3A_486 : vector<1024x128xi32>
      %broadcast_in_dim3A_488 = vector.shape_cast %broadcast_in_dim3A_478 : vector<1024x1xi32> to vector<1024x1xi32>
      %broadcast_in_dim3A_489 = vector.broadcast %broadcast_in_dim3A_488 : vector<1024x1xi32> to vector<1024x128xi32>
      %select_n3A_490 = arith.select %eq3A_487, %broadcast_in_dim3A_489, %select_n3A_461 : vector<1024x128xi1>, vector<1024x128xi32>
      %eq3A_491 = vector.broadcast %broadcast_in_dim3A_478 : vector<1024x1xi32> to vector<1024x512xi32>
      %eq3A_492 = arith.cmpi eq, %add3A_430, %eq3A_491 : vector<1024x512xi32>
      %and3A_493 = arith.andi %eq3A_472, %eq3A_492 : vector<1024x512xi1>
      %jit3A_494 = arith.constant 0xFF800000 : f32
      %broadcast_in_dim3A_495 = vector.broadcast %jit3A_494 : f32 to vector<1024x512xf32>
      %select_n3A_496 = arith.select %and3A_493, %broadcast_in_dim3A_495, %select_n3A_467 : vector<1024x512xi1>, vector<1024x512xf32>
      %reduce_max3A_497 = arith.constant dense<0xFF800000> : vector<1024xf32>
      %reduce_max3A_498 = vector.multi_reduction <maximumf>, %select_n3A_496, %reduce_max3A_497 [1] : vector<1024x512xf32> to vector<1024xf32>
      %broadcast_in_dim3A_499 = vector.shape_cast %reduce_max3A_498 : vector<1024xf32> to vector<1024x1xf32>
      %eq3A_500 = vector.broadcast %broadcast_in_dim3A_499 : vector<1024x1xf32> to vector<1024x512xf32>
      %eq3A_501 = arith.cmpf oeq, %select_n3A_496, %eq3A_500 : vector<1024x512xf32>
      %jit3A_502 = arith.constant 2147483647 : i32
      %broadcast_in_dim3A_503 = vector.broadcast %jit3A_502 : i32 to vector<1024x512xi32>
      %select_n3A_504 = arith.select %eq3A_501, %add3A_430, %broadcast_in_dim3A_503 : vector<1024x512xi1>, vector<1024x512xi32>
      %reduce_min3A_505 = arith.constant dense<2147483647> : vector<1024xi32>
      %reduce_min3A_506 = vector.multi_reduction <minsi>, %select_n3A_504, %reduce_min3A_505 [1] : vector<1024x512xi32> to vector<1024xi32>
      %broadcast_in_dim3A_507 = vector.shape_cast %reduce_min3A_506 : vector<1024xi32> to vector<1024x1xi32>
      %eq3A_508 = arith.constant 2 : i32
      %eq3A_509 = vector.broadcast %eq3A_508 : i32 to vector<1024x128xi32>
      %eq3A_510 = arith.cmpi eq, %iota3A_436, %eq3A_509 : vector<1024x128xi32>
      %broadcast_in_dim3A_511 = vector.shape_cast %broadcast_in_dim3A_499 : vector<1024x1xf32> to vector<1024x1xf32>
      %broadcast_in_dim3A_512 = vector.broadcast %broadcast_in_dim3A_511 : vector<1024x1xf32> to vector<1024x128xf32>
      %select_n3A_513 = arith.select %eq3A_510, %broadcast_in_dim3A_512, %select_n3A_484 : vector<1024x128xi1>, vector<1024x128xf32>
      %eq3A_514 = arith.constant 2 : i32
      %eq3A_515 = vector.broadcast %eq3A_514 : i32 to vector<1024x128xi32>
      %eq3A_516 = arith.cmpi eq, %iota3A_436, %eq3A_515 : vector<1024x128xi32>
      %broadcast_in_dim3A_517 = vector.shape_cast %broadcast_in_dim3A_507 : vector<1024x1xi32> to vector<1024x1xi32>
      %broadcast_in_dim3A_518 = vector.broadcast %broadcast_in_dim3A_517 : vector<1024x1xi32> to vector<1024x128xi32>
      %select_n3A_519 = arith.select %eq3A_516, %broadcast_in_dim3A_518, %select_n3A_490 : vector<1024x128xi1>, vector<1024x128xi32>
      %eq3A_520 = vector.broadcast %broadcast_in_dim3A_507 : vector<1024x1xi32> to vector<1024x512xi32>
      %eq3A_521 = arith.cmpi eq, %add3A_430, %eq3A_520 : vector<1024x512xi32>
      %and3A_522 = arith.andi %eq3A_501, %eq3A_521 : vector<1024x512xi1>
      %jit3A_523 = arith.constant 0xFF800000 : f32
      %broadcast_in_dim3A_524 = vector.broadcast %jit3A_523 : f32 to vector<1024x512xf32>
      %select_n3A_525 = arith.select %and3A_522, %broadcast_in_dim3A_524, %select_n3A_496 : vector<1024x512xi1>, vector<1024x512xf32>
      %reduce_max3A_526 = arith.constant dense<0xFF800000> : vector<1024xf32>
      %reduce_max3A_527 = vector.multi_reduction <maximumf>, %select_n3A_525, %reduce_max3A_526 [1] : vector<1024x512xf32> to vector<1024xf32>
      %broadcast_in_dim3A_528 = vector.shape_cast %reduce_max3A_527 : vector<1024xf32> to vector<1024x1xf32>
      %eq3A_529 = vector.broadcast %broadcast_in_dim3A_528 : vector<1024x1xf32> to vector<1024x512xf32>
      %eq3A_530 = arith.cmpf oeq, %select_n3A_525, %eq3A_529 : vector<1024x512xf32>
      %jit3A_531 = arith.constant 2147483647 : i32
      %broadcast_in_dim3A_532 = vector.broadcast %jit3A_531 : i32 to vector<1024x512xi32>
      %select_n3A_533 = arith.select %eq3A_530, %add3A_430, %broadcast_in_dim3A_532 : vector<1024x512xi1>, vector<1024x512xi32>
      %reduce_min3A_534 = arith.constant dense<2147483647> : vector<1024xi32>
      %reduce_min3A_535 = vector.multi_reduction <minsi>, %select_n3A_533, %reduce_min3A_534 [1] : vector<1024x512xi32> to vector<1024xi32>
      %broadcast_in_dim3A_536 = vector.shape_cast %reduce_min3A_535 : vector<1024xi32> to vector<1024x1xi32>
      %eq3A_537 = arith.constant 3 : i32
      %eq3A_538 = vector.broadcast %eq3A_537 : i32 to vector<1024x128xi32>
      %eq3A_539 = arith.cmpi eq, %iota3A_436, %eq3A_538 : vector<1024x128xi32>
      %broadcast_in_dim3A_540 = vector.shape_cast %broadcast_in_dim3A_528 : vector<1024x1xf32> to vector<1024x1xf32>
      %broadcast_in_dim3A_541 = vector.broadcast %broadcast_in_dim3A_540 : vector<1024x1xf32> to vector<1024x128xf32>
      %select_n3A_542 = arith.select %eq3A_539, %broadcast_in_dim3A_541, %select_n3A_513 : vector<1024x128xi1>, vector<1024x128xf32>
      %eq3A_543 = arith.constant 3 : i32
      %eq3A_544 = vector.broadcast %eq3A_543 : i32 to vector<1024x128xi32>
      %eq3A_545 = arith.cmpi eq, %iota3A_436, %eq3A_544 : vector<1024x128xi32>
      %broadcast_in_dim3A_546 = vector.shape_cast %broadcast_in_dim3A_536 : vector<1024x1xi32> to vector<1024x1xi32>
      %broadcast_in_dim3A_547 = vector.broadcast %broadcast_in_dim3A_546 : vector<1024x1xi32> to vector<1024x128xi32>
      %select_n3A_548 = arith.select %eq3A_545, %broadcast_in_dim3A_547, %select_n3A_519 : vector<1024x128xi1>, vector<1024x128xi32>
      %eq3A_549 = vector.broadcast %broadcast_in_dim3A_536 : vector<1024x1xi32> to vector<1024x512xi32>
      %eq3A_550 = arith.cmpi eq, %add3A_430, %eq3A_549 : vector<1024x512xi32>
      %and3A_551 = arith.andi %eq3A_530, %eq3A_550 : vector<1024x512xi1>
      %jit3A_552 = arith.constant 0xFF800000 : f32
      %broadcast_in_dim3A_553 = vector.broadcast %jit3A_552 : f32 to vector<1024x512xf32>
      %select_n3A_554 = arith.select %and3A_551, %broadcast_in_dim3A_553, %select_n3A_525 : vector<1024x512xi1>, vector<1024x512xf32>
      %reduce_max3A_555 = arith.constant dense<0xFF800000> : vector<1024xf32>
      %reduce_max3A_556 = vector.multi_reduction <maximumf>, %select_n3A_554, %reduce_max3A_555 [1] : vector<1024x512xf32> to vector<1024xf32>
      %broadcast_in_dim3A_557 = vector.shape_cast %reduce_max3A_556 : vector<1024xf32> to vector<1024x1xf32>
      %eq3A_558 = vector.broadcast %broadcast_in_dim3A_557 : vector<1024x1xf32> to vector<1024x512xf32>
      %eq3A_559 = arith.cmpf oeq, %select_n3A_554, %eq3A_558 : vector<1024x512xf32>
      %jit3A_560 = arith.constant 2147483647 : i32
      %broadcast_in_dim3A_561 = vector.broadcast %jit3A_560 : i32 to vector<1024x512xi32>
      %select_n3A_562 = arith.select %eq3A_559, %add3A_430, %broadcast_in_dim3A_561 : vector<1024x512xi1>, vector<1024x512xi32>
      %reduce_min3A_563 = arith.constant dense<2147483647> : vector<1024xi32>
      %reduce_min3A_564 = vector.multi_reduction <minsi>, %select_n3A_562, %reduce_min3A_563 [1] : vector<1024x512xi32> to vector<1024xi32>
      %broadcast_in_dim3A_565 = vector.shape_cast %reduce_min3A_564 : vector<1024xi32> to vector<1024x1xi32>
      %eq3A_566 = arith.constant 4 : i32
      %eq3A_567 = vector.broadcast %eq3A_566 : i32 to vector<1024x128xi32>
      %eq3A_568 = arith.cmpi eq, %iota3A_436, %eq3A_567 : vector<1024x128xi32>
      %broadcast_in_dim3A_569 = vector.shape_cast %broadcast_in_dim3A_557 : vector<1024x1xf32> to vector<1024x1xf32>
      %broadcast_in_dim3A_570 = vector.broadcast %broadcast_in_dim3A_569 : vector<1024x1xf32> to vector<1024x128xf32>
      %select_n3A_571 = arith.select %eq3A_568, %broadcast_in_dim3A_570, %select_n3A_542 : vector<1024x128xi1>, vector<1024x128xf32>
      %eq3A_572 = arith.constant 4 : i32
      %eq3A_573 = vector.broadcast %eq3A_572 : i32 to vector<1024x128xi32>
      %eq3A_574 = arith.cmpi eq, %iota3A_436, %eq3A_573 : vector<1024x128xi32>
      %broadcast_in_dim3A_575 = vector.shape_cast %broadcast_in_dim3A_565 : vector<1024x1xi32> to vector<1024x1xi32>
      %broadcast_in_dim3A_576 = vector.broadcast %broadcast_in_dim3A_575 : vector<1024x1xi32> to vector<1024x128xi32>
      %select_n3A_577 = arith.select %eq3A_574, %broadcast_in_dim3A_576, %select_n3A_548 : vector<1024x128xi1>, vector<1024x128xi32>
      %eq3A_578 = vector.broadcast %broadcast_in_dim3A_565 : vector<1024x1xi32> to vector<1024x512xi32>
      %eq3A_579 = arith.cmpi eq, %add3A_430, %eq3A_578 : vector<1024x512xi32>
      %and3A_580 = arith.andi %eq3A_559, %eq3A_579 : vector<1024x512xi1>
      %jit3A_581 = arith.constant 0xFF800000 : f32
      %broadcast_in_dim3A_582 = vector.broadcast %jit3A_581 : f32 to vector<1024x512xf32>
      %select_n3A_583 = arith.select %and3A_580, %broadcast_in_dim3A_582, %select_n3A_554 : vector<1024x512xi1>, vector<1024x512xf32>
      %reduce_max3A_584 = arith.constant dense<0xFF800000> : vector<1024xf32>
      %reduce_max3A_585 = vector.multi_reduction <maximumf>, %select_n3A_583, %reduce_max3A_584 [1] : vector<1024x512xf32> to vector<1024xf32>
      %broadcast_in_dim3A_586 = vector.shape_cast %reduce_max3A_585 : vector<1024xf32> to vector<1024x1xf32>
      %eq3A_587 = vector.broadcast %broadcast_in_dim3A_586 : vector<1024x1xf32> to vector<1024x512xf32>
      %eq3A_588 = arith.cmpf oeq, %select_n3A_583, %eq3A_587 : vector<1024x512xf32>
      %jit3A_589 = arith.constant 2147483647 : i32
      %broadcast_in_dim3A_590 = vector.broadcast %jit3A_589 : i32 to vector<1024x512xi32>
      %select_n3A_591 = arith.select %eq3A_588, %add3A_430, %broadcast_in_dim3A_590 : vector<1024x512xi1>, vector<1024x512xi32>
      %reduce_min3A_592 = arith.constant dense<2147483647> : vector<1024xi32>
      %reduce_min3A_593 = vector.multi_reduction <minsi>, %select_n3A_591, %reduce_min3A_592 [1] : vector<1024x512xi32> to vector<1024xi32>
      %broadcast_in_dim3A_594 = vector.shape_cast %reduce_min3A_593 : vector<1024xi32> to vector<1024x1xi32>
      %eq3A_595 = arith.constant 5 : i32
      %eq3A_596 = vector.broadcast %eq3A_595 : i32 to vector<1024x128xi32>
      %eq3A_597 = arith.cmpi eq, %iota3A_436, %eq3A_596 : vector<1024x128xi32>
      %broadcast_in_dim3A_598 = vector.shape_cast %broadcast_in_dim3A_586 : vector<1024x1xf32> to vector<1024x1xf32>
      %broadcast_in_dim3A_599 = vector.broadcast %broadcast_in_dim3A_598 : vector<1024x1xf32> to vector<1024x128xf32>
      %select_n3A_600 = arith.select %eq3A_597, %broadcast_in_dim3A_599, %select_n3A_571 : vector<1024x128xi1>, vector<1024x128xf32>
      %eq3A_601 = arith.constant 5 : i32
      %eq3A_602 = vector.broadcast %eq3A_601 : i32 to vector<1024x128xi32>
      %eq3A_603 = arith.cmpi eq, %iota3A_436, %eq3A_602 : vector<1024x128xi32>
      %broadcast_in_dim3A_604 = vector.shape_cast %broadcast_in_dim3A_594 : vector<1024x1xi32> to vector<1024x1xi32>
      %broadcast_in_dim3A_605 = vector.broadcast %broadcast_in_dim3A_604 : vector<1024x1xi32> to vector<1024x128xi32>
      %select_n3A_606 = arith.select %eq3A_603, %broadcast_in_dim3A_605, %select_n3A_577 : vector<1024x128xi1>, vector<1024x128xi32>
      %eq3A_607 = vector.broadcast %broadcast_in_dim3A_594 : vector<1024x1xi32> to vector<1024x512xi32>
      %eq3A_608 = arith.cmpi eq, %add3A_430, %eq3A_607 : vector<1024x512xi32>
      %and3A_609 = arith.andi %eq3A_588, %eq3A_608 : vector<1024x512xi1>
      %jit3A_610 = arith.constant 0xFF800000 : f32
      %broadcast_in_dim3A_611 = vector.broadcast %jit3A_610 : f32 to vector<1024x512xf32>
      %select_n3A_612 = arith.select %and3A_609, %broadcast_in_dim3A_611, %select_n3A_583 : vector<1024x512xi1>, vector<1024x512xf32>
      %reduce_max3A_613 = arith.constant dense<0xFF800000> : vector<1024xf32>
      %reduce_max3A_614 = vector.multi_reduction <maximumf>, %select_n3A_612, %reduce_max3A_613 [1] : vector<1024x512xf32> to vector<1024xf32>
      %broadcast_in_dim3A_615 = vector.shape_cast %reduce_max3A_614 : vector<1024xf32> to vector<1024x1xf32>
      %eq3A_616 = vector.broadcast %broadcast_in_dim3A_615 : vector<1024x1xf32> to vector<1024x512xf32>
      %eq3A_617 = arith.cmpf oeq, %select_n3A_612, %eq3A_616 : vector<1024x512xf32>
      %jit3A_618 = arith.constant 2147483647 : i32
      %broadcast_in_dim3A_619 = vector.broadcast %jit3A_618 : i32 to vector<1024x512xi32>
      %select_n3A_620 = arith.select %eq3A_617, %add3A_430, %broadcast_in_dim3A_619 : vector<1024x512xi1>, vector<1024x512xi32>
      %reduce_min3A_621 = arith.constant dense<2147483647> : vector<1024xi32>
      %reduce_min3A_622 = vector.multi_reduction <minsi>, %select_n3A_620, %reduce_min3A_621 [1] : vector<1024x512xi32> to vector<1024xi32>
      %broadcast_in_dim3A_623 = vector.shape_cast %reduce_min3A_622 : vector<1024xi32> to vector<1024x1xi32>
      %eq3A_624 = arith.constant 6 : i32
      %eq3A_625 = vector.broadcast %eq3A_624 : i32 to vector<1024x128xi32>
      %eq3A_626 = arith.cmpi eq, %iota3A_436, %eq3A_625 : vector<1024x128xi32>
      %broadcast_in_dim3A_627 = vector.shape_cast %broadcast_in_dim3A_615 : vector<1024x1xf32> to vector<1024x1xf32>
      %broadcast_in_dim3A_628 = vector.broadcast %broadcast_in_dim3A_627 : vector<1024x1xf32> to vector<1024x128xf32>
      %select_n3A_629 = arith.select %eq3A_626, %broadcast_in_dim3A_628, %select_n3A_600 : vector<1024x128xi1>, vector<1024x128xf32>
      %eq3A_630 = arith.constant 6 : i32
      %eq3A_631 = vector.broadcast %eq3A_630 : i32 to vector<1024x128xi32>
      %eq3A_632 = arith.cmpi eq, %iota3A_436, %eq3A_631 : vector<1024x128xi32>
      %broadcast_in_dim3A_633 = vector.shape_cast %broadcast_in_dim3A_623 : vector<1024x1xi32> to vector<1024x1xi32>
      %broadcast_in_dim3A_634 = vector.broadcast %broadcast_in_dim3A_633 : vector<1024x1xi32> to vector<1024x128xi32>
      %select_n3A_635 = arith.select %eq3A_632, %broadcast_in_dim3A_634, %select_n3A_606 : vector<1024x128xi1>, vector<1024x128xi32>
      %eq3A_636 = vector.broadcast %broadcast_in_dim3A_623 : vector<1024x1xi32> to vector<1024x512xi32>
      %eq3A_637 = arith.cmpi eq, %add3A_430, %eq3A_636 : vector<1024x512xi32>
      %and3A_638 = arith.andi %eq3A_617, %eq3A_637 : vector<1024x512xi1>
      %jit3A_639 = arith.constant 0xFF800000 : f32
      %broadcast_in_dim3A_640 = vector.broadcast %jit3A_639 : f32 to vector<1024x512xf32>
      %select_n3A_641 = arith.select %and3A_638, %broadcast_in_dim3A_640, %select_n3A_612 : vector<1024x512xi1>, vector<1024x512xf32>
      %reduce_max3A_642 = arith.constant dense<0xFF800000> : vector<1024xf32>
      %reduce_max3A_643 = vector.multi_reduction <maximumf>, %select_n3A_641, %reduce_max3A_642 [1] : vector<1024x512xf32> to vector<1024xf32>
      %broadcast_in_dim3A_644 = vector.shape_cast %reduce_max3A_643 : vector<1024xf32> to vector<1024x1xf32>
      %eq3A_645 = vector.broadcast %broadcast_in_dim3A_644 : vector<1024x1xf32> to vector<1024x512xf32>
      %eq3A_646 = arith.cmpf oeq, %select_n3A_641, %eq3A_645 : vector<1024x512xf32>
      %jit3A_647 = arith.constant 2147483647 : i32
      %broadcast_in_dim3A_648 = vector.broadcast %jit3A_647 : i32 to vector<1024x512xi32>
      %select_n3A_649 = arith.select %eq3A_646, %add3A_430, %broadcast_in_dim3A_648 : vector<1024x512xi1>, vector<1024x512xi32>
      %reduce_min3A_650 = arith.constant dense<2147483647> : vector<1024xi32>
      %reduce_min3A_651 = vector.multi_reduction <minsi>, %select_n3A_649, %reduce_min3A_650 [1] : vector<1024x512xi32> to vector<1024xi32>
      %broadcast_in_dim3A_652 = vector.shape_cast %reduce_min3A_651 : vector<1024xi32> to vector<1024x1xi32>
      %eq3A_653 = arith.constant 7 : i32
      %eq3A_654 = vector.broadcast %eq3A_653 : i32 to vector<1024x128xi32>
      %eq3A_655 = arith.cmpi eq, %iota3A_436, %eq3A_654 : vector<1024x128xi32>
      %broadcast_in_dim3A_656 = vector.shape_cast %broadcast_in_dim3A_644 : vector<1024x1xf32> to vector<1024x1xf32>
      %broadcast_in_dim3A_657 = vector.broadcast %broadcast_in_dim3A_656 : vector<1024x1xf32> to vector<1024x128xf32>
      %select_n3A_658 = arith.select %eq3A_655, %broadcast_in_dim3A_657, %select_n3A_629 : vector<1024x128xi1>, vector<1024x128xf32>
      %eq3A_659 = arith.constant 7 : i32
      %eq3A_660 = vector.broadcast %eq3A_659 : i32 to vector<1024x128xi32>
      %eq3A_661 = arith.cmpi eq, %iota3A_436, %eq3A_660 : vector<1024x128xi32>
      %broadcast_in_dim3A_662 = vector.shape_cast %broadcast_in_dim3A_652 : vector<1024x1xi32> to vector<1024x1xi32>
      %broadcast_in_dim3A_663 = vector.broadcast %broadcast_in_dim3A_662 : vector<1024x1xi32> to vector<1024x128xi32>
      %select_n3A_664 = arith.select %eq3A_661, %broadcast_in_dim3A_663, %select_n3A_635 : vector<1024x128xi1>, vector<1024x128xi32>
      %swap3A_665 = arith.constant 0 : index
      %swap3A_666 = arith.constant 0 : index
      %swap3A_667 = vector.load %arg8[%swap3A_665, %swap3A_666] : memref<1024x128xf32, #tpu.memory_space<vmem>>, vector<1024x128xf32>
      tpu.vector_store %arg8[%swap3A_665, %swap3A_666], %select_n3A_658 {strides = array<i32>} : memref<1024x128xf32, #tpu.memory_space<vmem>>, vector<1024x128xf32>,
      %swap3A_668 = arith.constant 0 : index
      %swap3A_669 = arith.constant 0 : index
      %swap3A_670 = vector.load %arg9[%swap3A_668, %swap3A_669] : memref<1024x128xi32, #tpu.memory_space<vmem>>, vector<1024x128xi32>
      tpu.vector_store %arg9[%swap3A_668, %swap3A_669], %select_n3A_664 {strides = array<i32>} : memref<1024x128xi32, #tpu.memory_space<vmem>>, vector<1024x128xi32>,
    } else {
    }
    return
  }
  func.func @transform_0(%arg0: i32) -> (i32, i32) {
    %c0_i32 = arith.constant 0 : i32
    %c0_i32_0 = arith.constant 0 : i32
    %c0_i32_1 = arith.constant 0 : i32
    return %c0_i32, %c0_i32_0 : i32, i32
  }
  func.func @transform_1(%arg0: i32) -> (i32, i32) {
    %c0_i32 = arith.constant 0 : i32
    %c0_i32_0 = arith.constant 0 : i32
    return %arg0, %c0_i32 : i32, i32
  }
  func.func @transform_2(%arg0: i32) -> (i32, i32) {
    %c0_i32 = arith.constant 0 : i32
    %c0_i32_0 = arith.constant 0 : i32
    return %arg0, %c0_i32 : i32, i32
  }
  func.func @transform_3(%arg0: i32) -> (i32, i32) {
    %c0_i32 = arith.constant 0 : i32
    %c0_i32_0 = arith.constant 0 : i32
    %c0_i32_1 = arith.constant 0 : i32
    return %c0_i32, %c0_i32_0 : i32, i32
  }
  func.func @transform_4(%arg0: i32) -> (i32, i32) {
    %c0_i32 = arith.constant 0 : i32
    %c0_i32_0 = arith.constant 0 : i32
    %c0_i32_1 = arith.constant 0 : i32
    return %c0_i32, %c0_i32_0 : i32, i32
  }
  func.func @transform_5(%arg0: i32) -> (i32, i32) {
    %c0_i32 = arith.constant 0 : i32
    %c0_i32_0 = arith.constant 0 : i32
    %c0_i32_1 = arith.constant 0 : i32
    return %c0_i32, %c0_i32_0 : i32, i32
  }
  func.func @transform_6(%arg0: i32) -> (i32, i32) {
    %c0_i32 = arith.constant 0 : i32
    %c0_i32_0 = arith.constant 0 : i32
    %c0_i32_1 = arith.constant 0 : i32
    return %c0_i32, %c0_i32_0 : i32, i32
  }
  func.func @transform_7(%arg0: i32) -> (i32, i32) {
    %c0_i32 = arith.constant 0 : i32
    %c0_i32_0 = arith.constant 0 : i32
    %c0_i32_1 = arith.constant 0 : i32
    return %c0_i32, %c0_i32_0 : i32, i32
  }
  func.func @transform_8(%arg0: i32) -> (i32, i32) {
    %c0_i32 = arith.constant 0 : i32
    %c0_i32_0 = arith.constant 0 : i32
    %c0_i32_1 = arith.constant 0 : i32
    return %c0_i32, %c0_i32_0 : i32, i32
  }
}

module attributes {stable_mosaic.version = 14 : i64} {
  func.func @_head_body(%arg0: i32, %arg1: memref<256x6144xf32, #tpu.memory_space<vmem>>, %arg2: memref<256x768xf32, #tpu.memory_space<vmem>>, %arg3: memref<768x512xf32, #tpu.memory_space<vmem>>, %arg4: memref<1x512xf32, #tpu.memory_space<vmem>>, %arg5: memref<1x512xf32, #tpu.memory_space<vmem>>, %arg6: memref<6144x512xf32, #tpu.memory_space<vmem>>, %arg7: memref<1x512xf32, #tpu.memory_space<vmem>>, %arg8: memref<1536x512xf32, #tpu.memory_space<vmem>>, %arg9: memref<1x512xf32, #tpu.memory_space<vmem>>, %arg10: memref<512x256xf32, #tpu.memory_space<vmem>>, %arg11: memref<1x256xf32, #tpu.memory_space<vmem>>, %arg12: memref<256x128xf32, #tpu.memory_space<vmem>>, %arg13: memref<1x128xf32, #tpu.memory_space<vmem>>, %arg14: memref<256x128xf32, #tpu.memory_space<vmem>>) attributes {dimension_semantics = [#tpu.dimension_semantics<arbitrary>], iteration_bounds = array<i64: 4>, scalar_prefetch = 0 : i64, scratch_operands = 0 : i64, tpu.core_type = #tpu.core_type<tc>, window_params = [{transform_indices = @transform_0, window_bounds = array<i64: 256, 6144>}, {transform_indices = @transform_1, window_bounds = array<i64: 256, 768>}, {pipeline_mode = #tpu.pipeline_mode<synchronous>, transform_indices = @transform_2, window_bounds = array<i64: 768, 512>}, {pipeline_mode = #tpu.pipeline_mode<synchronous>, transform_indices = @transform_3, window_bounds = array<i64: 1, 512>}, {pipeline_mode = #tpu.pipeline_mode<synchronous>, transform_indices = @transform_4, window_bounds = array<i64: 1, 512>}, {pipeline_mode = #tpu.pipeline_mode<synchronous>, transform_indices = @transform_5, window_bounds = array<i64: 6144, 512>}, {pipeline_mode = #tpu.pipeline_mode<synchronous>, transform_indices = @transform_6, window_bounds = array<i64: 1, 512>}, {pipeline_mode = #tpu.pipeline_mode<synchronous>, transform_indices = @transform_7, window_bounds = array<i64: 1536, 512>}, {pipeline_mode = #tpu.pipeline_mode<synchronous>, transform_indices = @transform_8, window_bounds = array<i64: 1, 512>}, {pipeline_mode = #tpu.pipeline_mode<synchronous>, transform_indices = @transform_9, window_bounds = array<i64: 512, 256>}, {pipeline_mode = #tpu.pipeline_mode<synchronous>, transform_indices = @transform_10, window_bounds = array<i64: 1, 256>}, {pipeline_mode = #tpu.pipeline_mode<synchronous>, transform_indices = @transform_11, window_bounds = array<i64: 256, 128>}, {pipeline_mode = #tpu.pipeline_mode<synchronous>, transform_indices = @transform_12, window_bounds = array<i64: 1, 128>}, {transform_indices = @transform_13, window_bounds = array<i64: 256, 128>}]} {
    %get3A = arith.constant 0 : index
    %get3A_0 = arith.constant 0 : index
    %get3A_1 = vector.load %arg2[%get3A, %get3A_0] : memref<256x768xf32, #tpu.memory_space<vmem>>, vector<256x768xf32>
    %get3A_2 = arith.constant 0 : index
    %get3A_3 = arith.constant 0 : index
    %get3A_4 = vector.load %arg3[%get3A_2, %get3A_3] : memref<768x512xf32, #tpu.memory_space<vmem>>, vector<768x512xf32>
    %dot_general3A = arith.constant dense<0.000000e+00> : vector<256x512xf32>
    %dot_general3A_5 = tpu.matmul %get3A_1, %get3A_4, %dot_general3A {dimension_numbers = #tpu.dot_dimension_numbers<[1], [0], [0], [1], [0, 0, 1, 1], [], []>, precision = #tpu.contract_precision<fp32>, transpose_lhs_hint = false} : vector<256x768xf32>, vector<768x512xf32>, vector<256x512xf32> -> vector<256x512xf32>
    %get3A_6 = arith.constant 0 : index
    %get3A_7 = arith.constant 0 : index
    %get3A_8 = vector.load %arg4[%get3A_6, %get3A_7] : memref<1x512xf32, #tpu.memory_space<vmem>>, vector<1x512xf32>
    %add3A = vector.broadcast %get3A_8 : vector<1x512xf32> to vector<256x512xf32>
    %add3A_9 = arith.addf %dot_general3A_5, %add3A : vector<256x512xf32>
    %get3A_10 = arith.constant 0 : index
    %get3A_11 = arith.constant 0 : index
    %get3A_12 = vector.load %arg1[%get3A_10, %get3A_11] : memref<256x6144xf32, #tpu.memory_space<vmem>>, vector<256x6144xf32>
    %get3A_13 = arith.constant 0 : index
    %get3A_14 = arith.constant 0 : index
    %get3A_15 = vector.load %arg6[%get3A_13, %get3A_14] : memref<6144x512xf32, #tpu.memory_space<vmem>>, vector<6144x512xf32>
    %dot_general3A_16 = arith.constant dense<0.000000e+00> : vector<256x512xf32>
    %dot_general3A_17 = tpu.matmul %get3A_12, %get3A_15, %dot_general3A_16 {dimension_numbers = #tpu.dot_dimension_numbers<[1], [0], [0], [1], [0, 0, 1, 1], [], []>, precision = #tpu.contract_precision<fp32>, transpose_lhs_hint = false} : vector<256x6144xf32>, vector<6144x512xf32>, vector<256x512xf32> -> vector<256x512xf32>
    %get3A_18 = arith.constant 0 : index
    %get3A_19 = arith.constant 0 : index
    %get3A_20 = vector.load %arg7[%get3A_18, %get3A_19] : memref<1x512xf32, #tpu.memory_space<vmem>>, vector<1x512xf32>
    %add3A_21 = vector.broadcast %get3A_20 : vector<1x512xf32> to vector<256x512xf32>
    %add3A_22 = arith.addf %dot_general3A_17, %add3A_21 : vector<256x512xf32>
    %get3A_23 = arith.constant 0 : index
    %get3A_24 = arith.constant 0 : index
    %get3A_25 = vector.load %arg5[%get3A_23, %get3A_24] : memref<1x512xf32, #tpu.memory_space<vmem>>, vector<1x512xf32>
    %get3A_26 = arith.constant 512 : index
    %get3A_27 = arith.constant 0 : index
    %get3A_28 = vector.load %arg8[%get3A_26, %get3A_27] : memref<1536x512xf32, #tpu.memory_space<vmem>>, vector<512x512xf32>
    %dot_general3A_29 = arith.constant dense<0.000000e+00> : vector<1x512xf32>
    %dot_general3A_30 = tpu.matmul %get3A_25, %get3A_28, %dot_general3A_29 {dimension_numbers = #tpu.dot_dimension_numbers<[1], [0], [0], [1], [0, 0, 1, 1], [], []>, precision = #tpu.contract_precision<fp32>, transpose_lhs_hint = false} : vector<1x512xf32>, vector<512x512xf32>, vector<1x512xf32> -> vector<1x512xf32>
    %get3A_31 = arith.constant 0 : index
    %get3A_32 = arith.constant 0 : index
    %get3A_33 = vector.load %arg8[%get3A_31, %get3A_32] : memref<1536x512xf32, #tpu.memory_space<vmem>>, vector<512x512xf32>
    %dot_general3A_34 = arith.constant dense<0.000000e+00> : vector<256x512xf32>
    %dot_general3A_35 = tpu.matmul %add3A_9, %get3A_33, %dot_general3A_34 {dimension_numbers = #tpu.dot_dimension_numbers<[1], [0], [0], [1], [0, 0, 1, 1], [], []>, precision = #tpu.contract_precision<fp32>, transpose_lhs_hint = false} : vector<256x512xf32>, vector<512x512xf32>, vector<256x512xf32> -> vector<256x512xf32>
    %add3A_36 = vector.broadcast %dot_general3A_30 : vector<1x512xf32> to vector<256x512xf32>
    %add3A_37 = arith.addf %dot_general3A_35, %add3A_36 : vector<256x512xf32>
    %get3A_38 = arith.constant 1024 : index
    %get3A_39 = arith.constant 0 : index
    %get3A_40 = vector.load %arg8[%get3A_38, %get3A_39] : memref<1536x512xf32, #tpu.memory_space<vmem>>, vector<512x512xf32>
    %dot_general3A_41 = arith.constant dense<0.000000e+00> : vector<256x512xf32>
    %dot_general3A_42 = tpu.matmul %add3A_22, %get3A_40, %dot_general3A_41 {dimension_numbers = #tpu.dot_dimension_numbers<[1], [0], [0], [1], [0, 0, 1, 1], [], []>, precision = #tpu.contract_precision<fp32>, transpose_lhs_hint = false} : vector<256x512xf32>, vector<512x512xf32>, vector<256x512xf32> -> vector<256x512xf32>
    %add3A_43 = arith.addf %add3A_37, %dot_general3A_42 : vector<256x512xf32>
    %get3A_44 = arith.constant 0 : index
    %get3A_45 = arith.constant 0 : index
    %get3A_46 = vector.load %arg9[%get3A_44, %get3A_45] : memref<1x512xf32, #tpu.memory_space<vmem>>, vector<1x512xf32>
    %add3A_47 = vector.broadcast %get3A_46 : vector<1x512xf32> to vector<256x512xf32>
    %add3A_48 = arith.addf %add3A_43, %add3A_47 : vector<256x512xf32>
    %max3A = arith.constant 0.000000e+00 : f32
    %max3A_49 = vector.broadcast %max3A : f32 to vector<256x512xf32>
    %max3A_50 = arith.maximumf %add3A_48, %max3A_49 : vector<256x512xf32>
    %get3A_51 = arith.constant 0 : index
    %get3A_52 = arith.constant 0 : index
    %get3A_53 = vector.load %arg10[%get3A_51, %get3A_52] : memref<512x256xf32, #tpu.memory_space<vmem>>, vector<512x256xf32>
    %dot_general3A_54 = arith.constant dense<0.000000e+00> : vector<256x256xf32>
    %dot_general3A_55 = tpu.matmul %max3A_50, %get3A_53, %dot_general3A_54 {dimension_numbers = #tpu.dot_dimension_numbers<[1], [0], [0], [1], [0, 0, 1, 1], [], []>, precision = #tpu.contract_precision<fp32>, transpose_lhs_hint = false} : vector<256x512xf32>, vector<512x256xf32>, vector<256x256xf32> -> vector<256x256xf32>
    %get3A_56 = arith.constant 0 : index
    %get3A_57 = arith.constant 0 : index
    %get3A_58 = vector.load %arg11[%get3A_56, %get3A_57] : memref<1x256xf32, #tpu.memory_space<vmem>>, vector<1x256xf32>
    %add3A_59 = vector.broadcast %get3A_58 : vector<1x256xf32> to vector<256x256xf32>
    %add3A_60 = arith.addf %dot_general3A_55, %add3A_59 : vector<256x256xf32>
    %max3A_61 = arith.constant 0.000000e+00 : f32
    %max3A_62 = vector.broadcast %max3A_61 : f32 to vector<256x256xf32>
    %max3A_63 = arith.maximumf %add3A_60, %max3A_62 : vector<256x256xf32>
    %get3A_64 = arith.constant 0 : index
    %get3A_65 = arith.constant 0 : index
    %get3A_66 = vector.load %arg12[%get3A_64, %get3A_65] : memref<256x128xf32, #tpu.memory_space<vmem>>, vector<256x128xf32>
    %dot_general3A_67 = arith.constant dense<0.000000e+00> : vector<256x128xf32>
    %dot_general3A_68 = tpu.matmul %max3A_63, %get3A_66, %dot_general3A_67 {dimension_numbers = #tpu.dot_dimension_numbers<[1], [0], [0], [1], [0, 0, 1, 1], [], []>, precision = #tpu.contract_precision<fp32>, transpose_lhs_hint = false} : vector<256x256xf32>, vector<256x128xf32>, vector<256x128xf32> -> vector<256x128xf32>
    %get3A_69 = arith.constant 0 : index
    %get3A_70 = arith.constant 0 : index
    %get3A_71 = vector.load %arg13[%get3A_69, %get3A_70] : memref<1x128xf32, #tpu.memory_space<vmem>>, vector<1x128xf32>
    %add3A_72 = vector.broadcast %get3A_71 : vector<1x128xf32> to vector<256x128xf32>
    %add3A_73 = arith.addf %dot_general3A_68, %add3A_72 : vector<256x128xf32>
    %swap3A = arith.constant 0 : index
    %swap3A_74 = arith.constant 0 : index
    %swap3A_75 = vector.load %arg14[%swap3A, %swap3A_74] : memref<256x128xf32, #tpu.memory_space<vmem>>, vector<256x128xf32>
    tpu.vector_store %arg14[%swap3A, %swap3A_74], %add3A_73 {strides = array<i32>} : memref<256x128xf32, #tpu.memory_space<vmem>>, vector<256x128xf32>,
    return
  }
  func.func @transform_0(%arg0: i32) -> (i32, i32) {
    %c0_i32 = arith.constant 0 : i32
    %c0_i32_0 = arith.constant 0 : i32
    return %arg0, %c0_i32 : i32, i32
  }
  func.func @transform_1(%arg0: i32) -> (i32, i32) {
    %c0_i32 = arith.constant 0 : i32
    %c0_i32_0 = arith.constant 0 : i32
    return %arg0, %c0_i32 : i32, i32
  }
  func.func @transform_2(%arg0: i32) -> (i32, i32) {
    %c0_i32 = arith.constant 0 : i32
    %c0_i32_0 = arith.constant 0 : i32
    %c0_i32_1 = arith.constant 0 : i32
    return %c0_i32, %c0_i32_0 : i32, i32
  }
  func.func @transform_3(%arg0: i32) -> (i32, i32) {
    %c0_i32 = arith.constant 0 : i32
    %c0_i32_0 = arith.constant 0 : i32
    %c0_i32_1 = arith.constant 0 : i32
    return %c0_i32, %c0_i32_0 : i32, i32
  }
  func.func @transform_4(%arg0: i32) -> (i32, i32) {
    %c0_i32 = arith.constant 0 : i32
    %c0_i32_0 = arith.constant 0 : i32
    %c0_i32_1 = arith.constant 0 : i32
    return %c0_i32, %c0_i32_0 : i32, i32
  }
  func.func @transform_5(%arg0: i32) -> (i32, i32) {
    %c0_i32 = arith.constant 0 : i32
    %c0_i32_0 = arith.constant 0 : i32
    %c0_i32_1 = arith.constant 0 : i32
    return %c0_i32, %c0_i32_0 : i32, i32
  }
  func.func @transform_6(%arg0: i32) -> (i32, i32) {
    %c0_i32 = arith.constant 0 : i32
    %c0_i32_0 = arith.constant 0 : i32
    %c0_i32_1 = arith.constant 0 : i32
    return %c0_i32, %c0_i32_0 : i32, i32
  }
  func.func @transform_7(%arg0: i32) -> (i32, i32) {
    %c0_i32 = arith.constant 0 : i32
    %c0_i32_0 = arith.constant 0 : i32
    %c0_i32_1 = arith.constant 0 : i32
    return %c0_i32, %c0_i32_0 : i32, i32
  }
  func.func @transform_8(%arg0: i32) -> (i32, i32) {
    %c0_i32 = arith.constant 0 : i32
    %c0_i32_0 = arith.constant 0 : i32
    %c0_i32_1 = arith.constant 0 : i32
    return %c0_i32, %c0_i32_0 : i32, i32
  }
  func.func @transform_9(%arg0: i32) -> (i32, i32) {
    %c0_i32 = arith.constant 0 : i32
    %c0_i32_0 = arith.constant 0 : i32
    %c0_i32_1 = arith.constant 0 : i32
    return %c0_i32, %c0_i32_0 : i32, i32
  }
  func.func @transform_10(%arg0: i32) -> (i32, i32) {
    %c0_i32 = arith.constant 0 : i32
    %c0_i32_0 = arith.constant 0 : i32
    %c0_i32_1 = arith.constant 0 : i32
    return %c0_i32, %c0_i32_0 : i32, i32
  }
  func.func @transform_11(%arg0: i32) -> (i32, i32) {
    %c0_i32 = arith.constant 0 : i32
    %c0_i32_0 = arith.constant 0 : i32
    %c0_i32_1 = arith.constant 0 : i32
    return %c0_i32, %c0_i32_0 : i32, i32
  }
  func.func @transform_12(%arg0: i32) -> (i32, i32) {
    %c0_i32 = arith.constant 0 : i32
    %c0_i32_0 = arith.constant 0 : i32
    %c0_i32_1 = arith.constant 0 : i32
    return %c0_i32, %c0_i32_0 : i32, i32
  }
  func.func @transform_13(%arg0: i32) -> (i32, i32) {
    %c0_i32 = arith.constant 0 : i32
    %c0_i32_0 = arith.constant 0 : i32
    return %arg0, %c0_i32 : i32, i32
  }
}

</mosaic_0001>

<sc_bundles>
// kernel: kernel.5.cloned.1.call-start
scs
__scs_entry_jumppad:
0x0: {  	(pc) =	sbr.rel $0x88, $3  }
0x1: {  	(tag) =	ssettag $0x0;
	lr =	simm.s32 $0x1  }
0x2: {  	[smem:$0x3F7F] =	sst lr;
	_ =	strace $0xD0000000  }
0x3: {  	_ = 	snop  }
0x4: {  	_ = 	snop  }
0x5: {  	_ = 	snop  }
0x6: {  	_ = 	snop  }
0x7: {  	_ = 	snop  }
__scs_overlays_trampoline_lowered:
0x8: {  	[smem:$0x3F8E] =	sst s0  }
0x9: {  	[smem:$0x3F8F] =	sst s1  }
0xa: {  	[smem:$0x3F90] =	sst s2  }
0xb: {  	[smem:$0x3F91] =	sst s3  }
0xc: {  	[smem:$0x3F92] =	sst s4  }
0xd: {  	[smem:$0x3F93] =	sst s5  }
0xe: {  	[smem:$0x3F94] =	sst s6  }
0xf: {  	[smem:$0x3F95] =	sst s7  }
0x10: {  	[smem:$0x3F96] =	sst s8  }
0x11: {  	[smem:$0x3F97] =	sst s9;
	s0 =	simm.s32 @!p0 $0x0  }
0x12: {  	s1 =	sld [smem:$0x3F7D];
	s0 =	simm.s32 @p0 $0x1  }
0x13: {  	[smem:$0x3F98] =	sst s0;
	s0 =	simm.s32 @!p1 $0x0  }
0x14: {  	s2 =	sld [smem:$0x3F7C];
	s0 =	simm.s32 @p1 $0x1  }
0x15: {  	[smem:$0x3F99] =	sst s0;
	s0 =	simm.s32 @!p2 $0x0  }
0x16: {  	s3 =	sld [smem:$0x3FDB];
	s0 =	simm.s32 @p2 $0x1  }
0x17: {  	s4 =	simm.s32 $0x1BF5;
	[smem:$0x3F9B] =	sst s0  }
0x18: {  	s0 =	sld [smem:$0x3F7E];
	_ =	swait.ge [sflag:s4], $0x0  }
0x19: {  	s7 =	sld [smem:$0x3F7F]  }
0x1a: {  	s8 =	sadd.s32 $0xFFFFE003, lr  }
0x1b: {  	s9 =	sadd.s32 $0xFFFFFEF7, lr;
	s5 =	simm.s32 $0xFFFFFFFF;
	p2 =	slt.u32 s8, $0xFFFFF086  }
0x1c: {  	p1 =	slt.u32 s9, $0xF7A;
	s5 =	simm.s32 @!p2 $0x0  }
0x1d: {  	s5 =	simm.s32 @p1 $0x1;
	p0 =	seq.s32 s7, s2  }
0x1e: {  	s7 =	smul.u32 @!p0 $0xF7A, s2;
	p2 =	seq.s32 @!p0 s5, $0x0  }
0x1f: {  	s9 =	smul.u32 $0xF7A, s1;
	s8 =	simm.s32 @!p0 $0x1BF5;
	p2 =	por !p2, p0  }
0x20: {  	[sflag:s8] =	ssyncset.s32 @!p0 $0xFFFFF086;
	s6 =	sadd.s32 @!p0 s3, s7;
	s7 =	simm.s32 @!p0 $0x108  }
0x21: {  	s3 =	sadd.s32 s3, s9;
	s6 =	sadd.s32 @!p0 $0x88, s6;
	s7 =	simm.s32 @p2 $0x1082  }
0x22: {  	[simem:s7], [sflag:s8] =	dma.local @!p0 [hbm:s6], $0xF7A  }
0x23: {  	s9 =	sor.u32 $0xD0000000, s2;
	s6 =	simm.s32 $0x108;
	_ =	swait.ge @!p0 [sflag:s8], $0x0  }
0x24: {  	s3 =	sadd.s32 $0x88, s3;
	s6 =	simm.s32 @!p1 $0x1082;
	[sflag:s4] =	ssyncset.s32 $0xFFFFF086  }
0x25: {  	[simem:s6], [sflag:s4] =	dma.local [hbm:s3], $0xF7A  }
0x26: {  	[smem:$0x3F7F] =	sst s1;
	(tag) =	ssettag s2;
	_ =	strace s9  }
0x27: {  	s1 =	sld [smem:$0x3F8F]  }
0x28: {  	s2 =	sld [smem:$0x3F90]  }
0x29: {  	s4 =	sld [smem:$0x3F92]  }
0x2a: {  	p0 =	seq.s32 s5, $0x0;
	s5 =	sld [smem:$0x3F93]  }
0x2b: {  	s6 =	sld [smem:$0x3F94]  }
0x2c: {  	s7 =	sld [smem:$0x3F95]  }
0x2d: {  	s3 =	simm.s32 $0x108;
	s8 =	sld [smem:$0x3F96]  }
0x2e: {  	s3 =	simm.s32 @!p0 $0x1082;
	s9 =	sld [smem:$0x3F97]  }
0x2f: {  	lr =	sadd.s32 s0, s3;
	s0 =	sld [smem:$0x3F8E]  }
0x30: {  	s3 =	sld [smem:$0x3F91]  }
0x31: {  	[smem:$0x3F9A] =	sst s10  }
0x32: {  	s10 =	sld [smem:$0x3F98];
	_ =	sdelay $0x3  }
0x33: {  	p0 =	seq.s32 s10, $0x1;
	s10 =	sld [smem:$0x3F9A];
	_ =	sdelay $0x3  }
0x34: {  	[smem:$0x3F9A] =	sst s10  }
0x35: {  	s10 =	sld [smem:$0x3F99];
	_ =	sdelay $0x3  }
0x36: {  	p1 =	seq.s32 s10, $0x1;
	s10 =	sld [smem:$0x3F9A];
	_ =	sdelay $0x3  }
0x37: {  	[smem:$0x3F9A] =	sst s10  }
0x38: {  	s10 =	sld [smem:$0x3F9B]  }
0x39: {  	_ = 	snop;
	(pc) =	sbr.ind lr, $3  }
0x3a: {  	_ = 	snop  }
0x3b: {  	_ = 	snop  }
0x3c: {  	p2 =	seq.s32 s10, $0x1;
	s10 =	sld [smem:$0x3F9A]  }
0x3d: {  	_ =	shalt  }
0x3e: {  	_ =	shalt  }
0x3f: {  	_ =	shalt  }
0x40: {  	_ =	shalt  }
0x41: {  	_ =	shalt  }
0x42: {  	_ =	shalt  }
0x43: {  	_ =	shalt  }
0x44: {  	_ =	shalt  }
0x45: {  	_ =	shalt  }
0x46: {  	_ =	shalt  }
0x47: {  	_ =	shalt  }
0x48: {  	_ =	shalt  }
0x49: {  	_ =	shalt  }
0x4a: {  	_ =	shalt  }
0x4b: {  	_ =	shalt  }
0x4c: {  	_ =	shalt  }
0x4d: {  	_ =	shalt  }
0x4e: {  	_ =	shalt  }
0x4f: {  	_ =	shalt  }
0x50: {  	_ =	shalt  }
0x51: {  	_ =	shalt  }
0x52: {  	_ =	shalt  }
0x53: {  	_ =	shalt  }
0x54: {  	_ =	shalt  }
0x55: {  	_ =	shalt  }
0x56: {  	_ =	shalt  }
0x57: {  	_ =	shalt  }
0x58: {  	_ =	shalt  }
0x59: {  	_ =	shalt  }
0x5a: {  	_ =	shalt  }
0x5b: {  	_ =	shalt  }
0x5c: {  	_ =	shalt  }
0x5d: {  	_ =	shalt  }
0x5e: {  	_ =	shalt  }
0x5f: {  	_ =	shalt  }
0x60: {  	_ =	shalt  }
0x61: {  	_ =	shalt  }
0x62: {  	_ =	shalt  }
0x63: {  	_ =	shalt  }
0x64: {  	_ =	shalt  }
0x65: {  	_ =	shalt  }
0x66: {  	_ =	shalt  }
0x67: {  	_ =	shalt  }
0x68: {  	_ =	shalt  }
0x69: {  	_ =	shalt  }
0x6a: {  	_ =	shalt  }
0x6b: {  	_ =	shalt  }
0x6c: {  	_ =	shalt  }
0x6d: {  	_ =	shalt  }
0x6e: {  	_ =	shalt  }
0x6f: {  	_ =	shalt  }
0x70: {  	_ =	shalt  }
0x71: {  	_ =	shalt  }
0x72: {  	_ =	shalt  }
0x73: {  	_ =	shalt  }
0x74: {  	_ =	shalt  }
0x75: {  	_ =	shalt  }
0x76: {  	_ =	shalt  }
0x77: {  	_ =	shalt  }
0x78: {  	_ =	shalt  }
0x79: {  	_ =	shalt  }
0x7a: {  	_ =	shalt  }
0x7b: {  	_ =	shalt  }
0x7c: {  	_ =	shalt  }
0x7d: {  	_ =	shalt  }
0x7e: {  	_ =	shalt  }
0x7f: {  	_ =	shalt  }
0x80: {  	_ =	shalt  }
0x81: {  	_ =	shalt  }
0x82: {  	_ =	shalt  }
0x83: {  	_ =	shalt  }
0x84: {  	_ =	shalt  }
0x85: {  	_ =	shalt  }
0x86: {  	_ =	shalt  }
0x87: {  	_ =	shalt  }
.Lfunc_end0:
.L_simem_size_0:
called_computation_lowered:
.L_overlay_start_0:
0x88: {  	s2 =	sld [smem:$0x3FD9]  }
0x89: {  	s3 =	sld [smem:$0x3FFE];
	_ =	sdelay $0x1  }
0x8a: {  	s1 =	srdreg.scid  }
0x8b: {  	s0 =	sand.u32 $0x1, s1  }
0x8c: {  	s16 =	sshll.u32 s0, $0xA;
	s2 =	sadd.s32 s3, s2  }
0x8d: {  	s2 =	sadd.s32 s2, s16  }
0x8e: {  	[smem:$0x3FA6] =	sst s2  }
0x8f: {  	_ = 	snop  }
0x90: {  	(tm) =	ssettm $0x1  }
0x91: {  	s17 =	sld [smem:$0x3FFB];
	_ =	sdelay $0x3  }
0x92: {  	_ =	strace s17  }
0x93: {  	s2 =	sld [smem:$0x3FFC];
	_ =	sdelay $0x3  }
0x94: {  	_ =	strace s2  }
0x95: {  	s2 =	sld [smem:$0x3FFD];
	_ =	sdelay $0x3  }
0x96: {  	_ =	strace s2  }
0x97: {  	_ =	strace $0x8FFFFFFF  }
0x98: {  	s18 =	sld [smem:$0x3FDB];
	_ =	sdelay $0x1  }
0x99: {  	s19 =	simm.s32 $_scs_section_size  }
0x9a: {  	s4 =	simm.s32 $_size__tile_overlayer_lowered;
	s5 =	simm.s32 $_tile_overlayer_lowered  }
0x9b: {  	s22 =	simm.s32 $0x1BFF;
	s21 =	sshll.u32 s5, $0x1;
	s2 =	sadd.s32 s19, s18  }
0x9c: {  	s6 =	simm.s32 $0x0;
	s20 =	sshll.u32 s4, $0x1;
	s4 =	sadd.s32 s21, s2  }
0x9d: {  	[timem:s6], [sflag:s22] =	dma.local [hbm:s4], s20  }
0x9e: {  	_ =	swait.ge [sflag:s22], s20  }
0x9f: {  	s3 =	ssub.s32 $0x0, s20;
	[sflag:s22] =	ssyncset.done $0x0  }
0xa0: {  	[sflag:s22] =	ssyncadd.s32 s3;
	_ =	sdelay $0x1  }
0xa1: {  	s23 =	simm.s32 $0x1B8B  }
0xa2: {  	_ =	swait.ge [sflag:s23], $0x1  }
0xa3: {  	[sflag:s23] =	ssyncset.done $0x0  }
0xa4: {  	s25 =	simm.s32 $0x1B8E;
	s24 =	sld [smem:$0x3FFE];
	[sflag:s23] =	ssyncadd.s32 $0xFFFFFFFF  }
0xa5: {  	s26 =	simm.s32 $execute0_lowered;
	[smem:$0x3FD2] =	sst s25  }
0xa6: {  	s4 =	sshll.u32 s26, $0x1;
	_ =	strace $0x80000046;
	[dreg:$0x1] =	wrdreg $0xFFFFFFFF  }
0xa7: {  	s28 =	simm.s32 $_size_execute0_lowered;
	s2 =	sadd.s32 s2, s4;
	[dreg:$0x0] =	wrdreg $0x0  }
0xa8: {  	s4 =	sshll.u32 s28, $0x1;
	[dreg:$0x2] =	wrdreg s2  }
0xa9: {  	[dreg:$0x3] =	wrdreg s4  }
0xaa: {  	[dreg:$0x4] =	wrdreg $0xC0  }
0xab: {  	_ =	task [dreg:s6], $0x5FFFF  }
0xac: {  	[dreg:$0x1] =	wrdreg $0xFFFFFFFF  }
0xad: {  	[dreg:$0x0] =	wrdreg $0x60  }
0xae: {  	[dreg:$0x2] =	wrdreg s24  }
0xaf: {  	[dreg:$0x3] =	wrdreg $0x9  }
0xb0: {  	_ =	task.clear_ibuf [dreg:s6], $0x4FFFF;
	_ =	strace $0x90000046  }
0xb1: {  	s29 =	simm.s32 $0x9;
	_ =	strace $0x8000004F  }
0xb2: {  	_ =	swait.ge [sflag:s29], $0x1  }
0xb3: {  	[sflag:s29] =	ssyncadd.s32 $0xFFFFFFFF  }
0xb4: {  	_ =	strace $0x9000004F  }
0xb5: {  	_ =	sfence  }
0xb6: {  	s30 =	sld [smem:$0x0];
	_ =	sdelay $0x2  }
0xb7: {  	s31 =	sshll.u32 s1, $0xD;
	s1 =	sshrl.u32 s1, $0x2  }
0xb8: {  	s3 =	sand.u32 $0x4000, s31;
	s1 =	sadd.s32 s1, s30  }
0xb9: {  	s0 =	sor.u32 s3, s0;
	s1 =	sshll.u32 s1, $0x11  }
0xba: {  	s0 =	sor.u32 s1, s0  }
0xbb: {  	s0 =	sadd.s32 $0x8F2B, s0  }
0xbc: {  	[sflag:s0] =	ssyncadd.remote.s32 $0x1  }
0xbd: {  	_ =	sfence.sel $0xFFFF  }
0xbe: {  	[dreg:$0x0] =	wrdreg $0xFFFFFFFF;
	(pc) =	sbr.abs _section_cstart, $3  }
0xbf: {  	[dreg:$0x1] =	wrdreg $0xFFFFFFFF  }
0xc0: {  	_ =	task.clear_ibuf [dreg:s6], $0x2FFFF;
	_ =	strace $0x9FFFFFFF  }
0xc1: {  	(tm) =	ssettm $0x7FFFFFFF  }
tec
execute0_lowered:
.L_overlay_start_1:
0x0: {  	(tag) =	ssettag $0x1  }
0x1: {  	s7 =	rddreg [dreg:$0x0]  }
0x2: {  	s0 =	rddreg [dreg:$0x1]  }
0x3: {  	s1 =	simm.s32 $0x0;
	s3 =	srdreg.scid;
	s9 =	simm.s32 $0x5  }
0x4: {  	s10 =	simm.s32 $0x4;
	s11 =	simm.s32 $0x0;
	[smem:$0x7FF] =	sst s1  }
0x5: {  	s2 =	sadd.s32 $0x4E00, s7;
	s3 =	sand.u32 $0x1, s3;
	s4 =	sadd.s32 $0x930A00, s7  }
0x6: {  	s5 =	sadd.s32 $0x931200, s7;
	s7 =	sadd.s32 $0x4F00, s7;
	s6 =	ssub.s32 $0x2, s3  }
0x7: {  	v2 =	vlaneseq.u32;
	_ =	strace $0x80000047;
	s3 =	stileid.u32;
	s30 =	sshrl.u32 s6, $0x1  }
0x8: {  	vm0 =	vmmov $0xffff;
	vm1 =	vmmov $0xff;
	v1 =	vshrl.u32 v2, $0x3;
	[dreg:$0x2] =	wrdreg s5;
	s31 =	sshll.u32 s3, $0x7;
	s8 =	ssub.s32 s6, s30  }
0x9: {  	v0 =	vand.u32 $0x7, v2;
	v2 =	vor.u32 $0x8, v2;
	v1 =	vmul.u32 $0x8, v1;
	s5 =	sshll.u32 s3, $0x3;
	s6 =	sadd.s32 s4, s31;
	s8 =	smax.u32 s8, $0x1  }
.LBB2_1:
0xa: {  	_ =	strace $0x80000048;
	s12 =	simm.s32 $0x8  }
0xb: {  	s13 =	simm.s32 $0x0;
	s14 =	simm.s32 $0x0;
	s15 =	simm.s32 $0x0  }
0xc: {  	[tilespmem:s1], [sflag:$0x1] =	stream.linear.gather [hbm4b:s6+s1], $0x80, $0x200038;
	[tilespmem:$0x18100] =	vst v63  }
0xd: {  	s16 =	simm.s32 $0x0;
	s17 =	simm.s32 $0x1;
	_ =	strace $0x90000048  }
.LBB2_2:
0xe: {  	s18 =	smov.u32 s13;
	s13 =	sadd.s32 $0x1, s13  }
0xf: {  	p0 =	seq.s32 s13, $0x8  }
0x10: {  	s13 =	simm.s32 @p0 $0x0  }
0x11: {  	p6 =	sne.s32 s12, $0x1;
	p1 =	sne.s32 s18, s13  }
0x12: {  	p0 =	por !p6, !p1  }
0x13: {  	p0 =	por !p0, !p0  }
0x14: {  	s19 =	sadd.s32 @p0 s5, s13  }
0x15: {  	s20 =	sand.u32 @p0 $0x1, s17;
	s19 =	sshll.u32 @p0 s19, $0x4  }
0x16: {  	_ =	strace @p0 $0x80000049;
	s22 =	simm.s32 @p0 $0x0;
	s19 =	sand.u32 @p0 $0x1FFFFFF0, s19  }
0x17: {  	s21 =	sshll.u32 @p0 s20, $0x7;
	s20 =	sadd.s32 @p0 $0x1, s20;
	s19 =	sadd.s32 @p0 s4, s19  }
0x18: {  	[tilespmem:s21], [sflag:s20] =	stream.linear.gather @p0 [hbm4b:s19+s22], $0x80, $0x200038;
	[tilespmem:$0x18100] =	vst v63  }
0x19: {  	s28 =	sand.u32 $0x1, s16;
	_ =	strace @p0 $0x90000049  }
0x1a: {  	s19 =	sadd.s32 $0x1, s28;
	_ =	strace $0x8000004A  }
0x1b: {  	_ =	swait.ge [sflag:s19], $0x80  }
0x1c: {  	[sflag:s19] =	ssyncset.done $0x0  }
0x1d: {  	[sflag:s19] =	ssyncadd.s32 $0xFFFFFF80  }
0x1e: {  	s29 =	sshll.u32 s16, $0x7;
	_ =	strace $0x9000004A  }
0x1f: {  	s22 =	sand.u32 $0x80, s29;
	_ =	strace $0x8000004B  }
0x20: {  	v3 =	vld [tilespmem:s22+$0x0];
	_ =	sdelay $0x4  }
0x21: {  	v4 =	vshrl.u32 v3, $0x3  }
0x22: {  	v4 =	vmul.u32 $0x18, v4  }
0x23: {  	v3 =	vand.u32 $0x7, v3  }
0x24: {  	v3 =	vor.u32 v3, v4  }
0x25: {  	v4 =	vperm.xlane v3, v0;
	_ =	sdelay $0x1  }
0x26: {  	s19 =	sand.u32 $0x1, s15;
	v4 =	vadd.s32 v1, v4  }
0x27: {  	s30 =	smul.u32 $0x30000, s19  }
0x28: {  	v3 =	vperm.xlane v3, v2  }
0x29: {  	s21 =	sshrl.u32 s30, $0x2  }
0x2a: {  	s20 =	sor.u32 $0x100, s21;
	v3 =	vadd.s32 v1, v3  }
0x2b: {  	[tilespmem:s20], [sflag:$0x5] =	stream.indirect_vreg.gather [hbm4b:s2+s1], $0x80, v4, vm0, $0x2000b8;
	[tilespmem:$0x18100] =	vst v63  }
0x2c: {  	s23 =	sor.u32 $0x900, s21  }
0x2d: {  	[tilespmem:s23], [sflag:$0x5] =	stream.indirect_vreg.gather [hbm4b:s7+s1], $0x80, v4, vm1, $0x2000b8;
	[tilespmem:$0x18100] =	vst v63  }
0x2e: {  	s31 =	sor.u32 $0xD00, s21  }
0x2f: {  	[tilespmem:s31], [sflag:$0x5] =	stream.indirect_vreg.gather [hbm4b:s2+s1], $0x80, v3, vm0, $0x2000b8;
	[tilespmem:$0x18100] =	vst v63  }
0x30: {  	s24 =	sor.u32 $0x1500, s21  }
0x31: {  	[tilespmem:s24], [sflag:$0x5] =	stream.indirect_vreg.gather [hbm4b:s7+s1], $0x80, v3, vm1, $0x2000b8;
	[tilespmem:$0x18100] =	vst v63  }
0x32: {  	v3 =	vld [tilespmem:s22+$0x10];
	_ =	sdelay $0x4  }
0x33: {  	v57 =	vshrl.u32 v3, $0x3  }
0x34: {  	v4 =	vmul.u32 $0x18, v57  }
0x35: {  	v3 =	vand.u32 $0x7, v3  }
0x36: {  	v3 =	vor.u32 v3, v4  }
0x37: {  	v4 =	vperm.xlane v3, v0;
	_ =	sdelay $0x1  }
0x38: {  	v4 =	vadd.s32 v1, v4;
	_ =	sdelay $0x1  }
0x39: {  	v3 =	vperm.xlane v3, v2;
	_ =	sdelay $0x1  }
0x3a: {  	s25 =	sor.u32 $0x1900, s21;
	v3 =	vadd.s32 v1, v3  }
0x3b: {  	[tilespmem:s25], [sflag:$0x5] =	stream.indirect_vreg.gather [hbm4b:s2+s1], $0x80, v4, vm0, $0x2000b8;
	[tilespmem:$0x18100] =	vst v63  }
0x3c: {  	s26 =	sor.u32 $0x2100, s21  }
0x3d: {  	[tilespmem:s26], [sflag:$0x5] =	stream.indirect_vreg.gather [hbm4b:s7+s1], $0x80, v4, vm1, $0x2000b8;
	[tilespmem:$0x18100] =	vst v63  }
0x3e: {  	s28 =	sor.u32 $0x2500, s21  }
0x3f: {  	[tilespmem:s28], [sflag:$0x5] =	stream.indirect_vreg.gather [hbm4b:s2+s1], $0x80, v3, vm0, $0x2000b8;
	[tilespmem:$0x18100] =	vst v63  }
0x40: {  	s29 =	sor.u32 $0x2D00, s21  }
0x41: {  	[tilespmem:s29], [sflag:$0x5] =	stream.indirect_vreg.gather [hbm4b:s7+s1], $0x80, v3, vm1, $0x2000b8;
	[tilespmem:$0x18100] =	vst v63  }
0x42: {  	v3 =	vld [tilespmem:s22+$0x20];
	_ =	sdelay $0x4  }
0x43: {  	v58 =	vshrl.u32 v3, $0x3  }
0x44: {  	v4 =	vmul.u32 $0x18, v58  }
0x45: {  	v3 =	vand.u32 $0x7, v3  }
0x46: {  	v3 =	vor.u32 v3, v4  }
0x47: {  	v4 =	vperm.xlane v3, v0;
	_ =	sdelay $0x1  }
0x48: {  	v4 =	vadd.s32 v1, v4;
	_ =	sdelay $0x1  }
0x49: {  	v3 =	vperm.xlane v3, v2;
	_ =	sdelay $0x1  }
0x4a: {  	s30 =	sor.u32 $0x3100, s21;
	v3 =	vadd.s32 v1, v3  }
0x4b: {  	[tilespmem:s30], [sflag:$0x5] =	stream.indirect_vreg.gather [hbm4b:s2+s1], $0x80, v4, vm0, $0x2000b8;
	[tilespmem:$0x18100] =	vst v63  }
0x4c: {  	s31 =	sor.u32 $0x3900, s21  }
0x4d: {  	[tilespmem:s31], [sflag:$0x5] =	stream.indirect_vreg.gather [hbm4b:s7+s1], $0x80, v4, vm1, $0x2000b8;
	[tilespmem:$0x18100] =	vst v63  }
0x4e: {  	s24 =	sor.u32 $0x3D00, s21  }
0x4f: {  	[tilespmem:s24], [sflag:$0x5] =	stream.indirect_vreg.gather [hbm4b:s2+s1], $0x80, v3, vm0, $0x2000b8;
	[tilespmem:$0x18100] =	vst v63  }
0x50: {  	s25 =	sadd.s32 $0x4500, s21  }
0x51: {  	[tilespmem:s25], [sflag:$0x5] =	stream.indirect_vreg.gather [hbm4b:s7+s1], $0x80, v3, vm1, $0x2000b8;
	[tilespmem:$0x18100] =	vst v63  }
0x52: {  	v3 =	vld [tilespmem:s22+$0x30];
	_ =	sdelay $0x4  }
0x53: {  	v59 =	vshrl.u32 v3, $0x3  }
0x54: {  	v4 =	vmul.u32 $0x18, v59  }
0x55: {  	v3 =	vand.u32 $0x7, v3  }
0x56: {  	v3 =	vor.u32 v3, v4  }
0x57: {  	v4 =	vperm.xlane v3, v0;
	_ =	sdelay $0x1  }
0x58: {  	v4 =	vadd.s32 v1, v4;
	_ =	sdelay $0x1  }
0x59: {  	v3 =	vperm.xlane v3, v2;
	_ =	sdelay $0x1  }
0x5a: {  	s26 =	sadd.s32 $0x4900, s21;
	v3 =	vadd.s32 v1, v3  }
0x5b: {  	[tilespmem:s26], [sflag:$0x5] =	stream.indirect_vreg.gather [hbm4b:s2+s1], $0x80, v4, vm0, $0x2000b8;
	[tilespmem:$0x18100] =	vst v63  }
0x5c: {  	s28 =	sadd.s32 $0x5100, s21  }
0x5d: {  	[tilespmem:s28], [sflag:$0x5] =	stream.indirect_vreg.gather [hbm4b:s7+s1], $0x80, v4, vm1, $0x2000b8;
	[tilespmem:$0x18100] =	vst v63  }
0x5e: {  	s29 =	sadd.s32 $0x5500, s21  }
0x5f: {  	[tilespmem:s29], [sflag:$0x5] =	stream.indirect_vreg.gather [hbm4b:s2+s1], $0x80, v3, vm0, $0x2000b8;
	[tilespmem:$0x18100] =	vst v63  }
0x60: {  	s30 =	sadd.s32 $0x5D00, s21  }
0x61: {  	[tilespmem:s30], [sflag:$0x5] =	stream.indirect_vreg.gather [hbm4b:s7+s1], $0x80, v3, vm1, $0x2000b8;
	[tilespmem:$0x18100] =	vst v63  }
0x62: {  	v3 =	vld [tilespmem:s22+$0x40];
	_ =	sdelay $0x4  }
0x63: {  	v60 =	vshrl.u32 v3, $0x3  }
0x64: {  	v4 =	vmul.u32 $0x18, v60  }
0x65: {  	v3 =	vand.u32 $0x7, v3  }
0x66: {  	v3 =	vor.u32 v3, v4  }
0x67: {  	v4 =	vperm.xlane v3, v0;
	_ =	sdelay $0x1  }
0x68: {  	v4 =	vadd.s32 v1, v4;
	_ =	sdelay $0x1  }
0x69: {  	v3 =	vperm.xlane v3, v2;
	_ =	sdelay $0x1  }
0x6a: {  	s31 =	sadd.s32 $0x6100, s21;
	v3 =	vadd.s32 v1, v3  }
0x6b: {  	[tilespmem:s31], [sflag:$0x5] =	stream.indirect_vreg.gather [hbm4b:s2+s1], $0x80, v4, vm0, $0x2000b8;
	[tilespmem:$0x18100] =	vst v63  }
0x6c: {  	s24 =	sadd.s32 $0x6900, s21  }
0x6d: {  	[tilespmem:s24], [sflag:$0x5] =	stream.indirect_vreg.gather [hbm4b:s7+s1], $0x80, v4, vm1, $0x2000b8;
	[tilespmem:$0x18100] =	vst v63  }
0x6e: {  	s25 =	sadd.s32 $0x6D00, s21  }
0x6f: {  	[tilespmem:s25], [sflag:$0x5] =	stream.indirect_vreg.gather [hbm4b:s2+s1], $0x80, v3, vm0, $0x2000b8;
	[tilespmem:$0x18100] =	vst v63  }
0x70: {  	s26 =	sadd.s32 $0x7500, s21  }
0x71: {  	[tilespmem:s26], [sflag:$0x5] =	stream.indirect_vreg.gather [hbm4b:s7+s1], $0x80, v3, vm1, $0x2000b8;
	[tilespmem:$0x18100] =	vst v63  }
0x72: {  	v3 =	vld [tilespmem:s22+$0x50];
	_ =	sdelay $0x4  }
0x73: {  	v61 =	vshrl.u32 v3, $0x3  }
0x74: {  	v4 =	vmul.u32 $0x18, v61  }
0x75: {  	v3 =	vand.u32 $0x7, v3  }
0x76: {  	v3 =	vor.u32 v3, v4  }
0x77: {  	v4 =	vperm.xlane v3, v0;
	_ =	sdelay $0x1  }
0x78: {  	v4 =	vadd.s32 v1, v4;
	_ =	sdelay $0x1  }
0x79: {  	v3 =	vperm.xlane v3, v2;
	_ =	sdelay $0x1  }
0x7a: {  	s28 =	sadd.s32 $0x7900, s21;
	v3 =	vadd.s32 v1, v3  }
0x7b: {  	[tilespmem:s28], [sflag:$0x5] =	stream.indirect_vreg.gather [hbm4b:s2+s1], $0x80, v4, vm0, $0x2000b8;
	[tilespmem:$0x18100] =	vst v63  }
0x7c: {  	s29 =	sadd.s32 $0x8100, s21  }
0x7d: {  	[tilespmem:s29], [sflag:$0x5] =	stream.indirect_vreg.gather [hbm4b:s7+s1], $0x80, v4, vm1, $0x2000b8;
	[tilespmem:$0x18100] =	vst v63  }
0x7e: {  	s30 =	sadd.s32 $0x8500, s21  }
0x7f: {  	[tilespmem:s30], [sflag:$0x5] =	stream.indirect_vreg.gather [hbm4b:s2+s1], $0x80, v3, vm0, $0x2000b8;
	[tilespmem:$0x18100] =	vst v63  }
0x80: {  	s31 =	sadd.s32 $0x8D00, s21  }
0x81: {  	[tilespmem:s31], [sflag:$0x5] =	stream.indirect_vreg.gather [hbm4b:s7+s1], $0x80, v3, vm1, $0x2000b8;
	[tilespmem:$0x18100] =	vst v63  }
0x82: {  	v3 =	vld [tilespmem:s22+$0x60];
	_ =	sdelay $0x4  }
0x83: {  	v62 =	vshrl.u32 v3, $0x3  }
0x84: {  	v4 =	vmul.u32 $0x18, v62  }
0x85: {  	v3 =	vand.u32 $0x7, v3  }
0x86: {  	v3 =	vor.u32 v3, v4  }
0x87: {  	v4 =	vperm.xlane v3, v0;
	_ =	sdelay $0x1  }
0x88: {  	v4 =	vadd.s32 v1, v4;
	_ =	sdelay $0x1  }
0x89: {  	v3 =	vperm.xlane v3, v2;
	_ =	sdelay $0x1  }
0x8a: {  	s24 =	sadd.s32 $0x9100, s21;
	v3 =	vadd.s32 v1, v3  }
0x8b: {  	[tilespmem:s24], [sflag:$0x5] =	stream.indirect_vreg.gather [hbm4b:s2+s1], $0x80, v4, vm0, $0x2000b8;
	[tilespmem:$0x18100] =	vst v63  }
0x8c: {  	s25 =	sadd.s32 $0x9900, s21  }
0x8d: {  	[tilespmem:s25], [sflag:$0x5] =	stream.indirect_vreg.gather [hbm4b:s7+s1], $0x80, v4, vm1, $0x2000b8;
	[tilespmem:$0x18100] =	vst v63  }
0x8e: {  	s26 =	sadd.s32 $0x9D00, s21  }
0x8f: {  	[tilespmem:s26], [sflag:$0x5] =	stream.indirect_vreg.gather [hbm4b:s2+s1], $0x80, v3, vm0, $0x2000b8;
	[tilespmem:$0x18100] =	vst v63  }
0x90: {  	s28 =	sadd.s32 $0xA500, s21  }
0x91: {  	[tilespmem:s28], [sflag:$0x5] =	stream.indirect_vreg.gather [hbm4b:s7+s1], $0x80, v3, vm1, $0x2000b8;
	[tilespmem:$0x18100] =	vst v63  }
0x92: {  	v3 =	vld [tilespmem:s22+$0x70];
	_ =	sdelay $0x4  }
0x93: {  	v63 =	vshrl.u32 v3, $0x3  }
0x94: {  	v4 =	vmul.u32 $0x18, v63  }
0x95: {  	v3 =	vand.u32 $0x7, v3  }
0x96: {  	v3 =	vor.u32 v3, v4  }
0x97: {  	v4 =	vperm.xlane v3, v0;
	_ =	sdelay $0x1  }
0x98: {  	v4 =	vadd.s32 v1, v4;
	_ =	sdelay $0x1  }
0x99: {  	v3 =	vperm.xlane v3, v2;
	_ =	sdelay $0x1  }
0x9a: {  	s29 =	sadd.s32 $0xA900, s21;
	v3 =	vadd.s32 v1, v3  }
0x9b: {  	[tilespmem:s29], [sflag:$0x5] =	stream.indirect_vreg.gather [hbm4b:s2+s1], $0x80, v4, vm0, $0x2000b8;
	[tilespmem:$0x18100] =	vst v63  }
0x9c: {  	s30 =	sadd.s32 $0xB100, s21  }
0x9d: {  	[tilespmem:s30], [sflag:$0x5] =	stream.indirect_vreg.gather [hbm4b:s7+s1], $0x80, v4, vm1, $0x2000b8;
	[tilespmem:$0x18100] =	vst v63  }
0x9e: {  	s31 =	sadd.s32 $0xB500, s21  }
0x9f: {  	[tilespmem:s31], [sflag:$0x5] =	stream.indirect_vreg.gather [hbm4b:s2+s1], $0x80, v3, vm0, $0x2000b8;
	[tilespmem:$0x18100] =	vst v63  }
0xa0: {  	s21 =	sadd.s32 $0xBD00, s21  }
0xa1: {  	[tilespmem:s21], [sflag:$0x5] =	stream.indirect_vreg.gather [hbm4b:s7+s1], $0x80, v3, vm1, $0x2000b8;
	[tilespmem:$0x18100] =	vst v63  }
0xa2: {  	_ =	swait.ge [sflag:s9], $0xC000  }
0xa3: {  	[sflag:s9] =	ssyncset.done $0x0  }
0xa4: {  	p2 =	seq.s32 s12, $0x1;
	[sflag:s9] =	ssyncadd.s32 $0xFFFF4000  }
0xa5: {  	s18 =	sadd.s32 s5, s18;
	p1 =	por p2, p1;
	_ =	strace $0x9000004B  }
0xa6: {  	s18 =	smul.u32 @p1 $0x1800, s18;
	s22 =	simm.s32 $0x1;
	_ =	strace @p1 $0x8000004C  }
0xa7: {  	s19 =	sadd.s32 @p1 $0x3, s19;
	s22 =	simm.s32 @!p0 $0x0;
	s21 =	rddreg [dreg:$0x2]  }
0xa8: {  	p0 =	seq.s32 s12, $0x8;
	s18 =	sadd.s32 @p1 s21, s18;
	s21 =	simm.s32 @p1 $0x0  }
0xa9: {  	[hbm4b:s18+s21] =	stream.linear.scatter @p1 [tilespmem:s20], [sflag:s19], $0xC000, $0x200038;
	[tilespmem:$0x18100] =	vst v63  }
0xaa: {  	s18 =	simm.s32 $0x1;
	s20 =	simm.s32 $0x1;
	_ =	strace @p1 $0x9000004C  }
0xab: {  	s18 =	simm.s32 @!p1 $0x0;
	p1 =	sne.s32 s12, $0x8;
	s12 =	sadd.s32 $0xFFFFFFFF, s12  }
0xac: {  	s19 =	sand.u32 @!p0 $0x1, s14;
	s20 =	simm.s32 @!p1 $0x0;
	p1 =	sne.s32 s12, $0x0  }
.Ltmp0:
0xad: {  	s19 =	sadd.s32 @!p0 $0x3, s19;
	_ =	strace @!p0 $0x8000004D;
	(pc) =	sbr.rel @p1 .LBB2_2-.Ltmp0, $4  }
0xae: {  	_ =	swait.ge @!p0 [sflag:s19], $0xC000  }
0xaf: {  	[sflag:s19] =	ssyncset.done @!p0 $0x0  }
0xb0: {  	s17 =	sadd.s32 s22, s17;
	s15 =	sadd.s32 s18, s15;
	[sflag:s19] =	ssyncadd.s32 @!p0 $0xFFFF4000  }
0xb1: {  	s16 =	sadd.s32 s18, s16;
	s14 =	sadd.s32 s20, s14;
	_ =	strace @!p0 $0x9000004D  }
0xb2: {  	s11 =	sadd.s32 $0x1, s11  }
0xb3: {  	p0 =	sne.s32 s11, s8  }
.Ltmp1:
0xb4: {  	_ =	strace $0x8000004E;
	(pc) =	sbr.rel @p0 .LBB2_1-.Ltmp1, $4  }
0xb5: {  	_ =	swait.ge [sflag:s10], $0xC000  }
0xb6: {  	[sflag:s10] =	ssyncset.done $0x0  }
0xb7: {  	[sflag:s10] =	ssyncadd.s32 $0xFFFF4000  }
0xb8: {  	_ =	strace $0x9000004E  }
0xb9: {  	_ =	sfence.sel $0x180000  }
0xba: {  	[bflag:$0x0] =	sbarrier.arrive $0xFFFF  }
0xbb: {  	p0 =	sne.s32 s3, $0x0;
	_ =	strace $0x90000047  }
0xbc: {  	s0 =	sadd.s32 @!p0 $0x100000, s0;
	[bflag:$0x2] =	sbarrier.arrive $0xFFFF  }
0xbd: {  	[sflag:s0] =	ssyncadd.tile.s32 @!p0 $0x1;
	_ =	shalt  }
.Lfunc_end2:
_tile_overlayer_lowered:
.L_overlay_start_2:
0xbe: {  	(tag) =	ssettag $0x2  }
0xbf: {  	s0 =	rddreg [dreg:$0x0];
	s2 =	stileid.u32  }
0xc0: {  	s1 =	rddreg [dreg:$0x1];
	p0 =	sne.s32 s2, $0x0  }
0xc1: {  	s3 =	rddreg [dreg:$0x2];
	[bflag:$0x3] =	sbarrier.arrive $0xFFFF;
	s2 =	simm.s32 @!p0 $0x1C01  }
0xc2: {  	[timem:s3], [sflag:s2] =	dma.local @!p0 [hbm:s0], s1  }
0xc3: {  	s0 =	simm.s32 @!p0 $0x1  }
0xc4: {  	_ =	swait.ge @!p0 [sflag:s0], s1  }
0xc5: {  	s1 =	ssub.s32 @!p0 $0x0, s1;
	[sflag:s0] =	ssyncset.done @!p0 $0x0  }
0xc6: {  	[sflag:s0] =	ssyncadd.s32 @!p0 s1  }
0xc7: {  	[bflag:$0x3] =	sbarrier.arrive $0xFFFF  }
0xc8: {  	_ =	shalt  }

</sc_bundles>
